<compile_context>
chip_gen: v7x
topology: tpu7x:2x2x1
jax: 0.10.2.dev20260603
libtpu: 0.0.44.dev20260713+nightly
codegen_flags: <defaults>
</compile_context>

<pallas_src>
import functools

import jax
import jax.numpy as jnp
from jax import lax
from jax.experimental import pallas as pl
from jax.experimental.pallas import tpu as pltpu
from jax.experimental.pallas import tpu_sc as plsc

BATCH = 16384
N_CAT = 26
N_CONT = 26
VOCAB = 100000
EMB_DIM = 16
OUT_D = N_CAT * EMB_DIM + N_CONT

NW = 32
N_ROWS = N_CAT * EMB_DIM
ROWS_PER_W = N_ROWS // NW
HALF = 49920
HIGH = VOCAB - HALF
ICH = 4096
N_ICH = BATCH // ICH

_mesh = plsc.VectorSubcoreMesh(core_axis_name="c", subcore_axis_name="s")


@functools.partial(
    pl.kernel,
    mesh=_mesh,
    out_type=jax.ShapeDtypeStruct((OUT_D, BATCH), jnp.float32),
    scratch_types=[
        pltpu.VMEM((HALF,), jnp.float32),
        pltpu.VMEM((HIGH,), jnp.float32),
        pltpu.VMEM((ICH,), jnp.int32),
        pltpu.VMEM((ICH,), jnp.int32),
        pltpu.VMEM((BATCH,), jnp.float32),
        pltpu.SemaphoreType.DMA,
        pltpu.SemaphoreType.DMA,
        pltpu.SemaphoreType.DMA,
        pltpu.SemaphoreType.DMA,
    ],
    compiler_params=pltpu.CompilerParams(needs_layout_passes=False),
)
def _emb_kernel(tab_hbm, xt_hbm, out_hbm, blo, bhi, ia, ib, out_v,
                slo, shi, sa, sb):
    w = lax.axis_index("s") * 2 + lax.axis_index("c")
    ibufs = (ia, ib)
    isems = (sa, sb)
    lanes = lax.iota(jnp.int32, 16)

    def fe(rr):
        return rr // EMB_DIM, rr % EMB_DIM

    r0 = w * ROWS_PER_W
    f0, e0 = fe(r0)
    pltpu.async_copy(tab_hbm.at[f0, e0].at[pl.ds(0, HALF)], blo, slo)
    pltpu.async_copy(xt_hbm.at[f0].at[pl.ds(0, ICH)], ia, sa)

    def _task(k, _):
        r = w * ROWS_PER_W + k
        f, e = fe(r)
        row = tab_hbm.at[f, e]
        pltpu.async_copy(row.at[pl.ds(HALF, HIGH)], bhi, shi)
        pltpu.make_async_copy(row.at[pl.ds(0, HALF)], blo, slo).wait()

        for c8 in range(2 * N_ICH):
            jc = c8 % N_ICH
            par = c8 % 2
            if c8 < 2 * N_ICH - 1:
                njc = (c8 + 1) % N_ICH
                pltpu.async_copy(
                    xt_hbm.at[f].at[pl.ds(njc * ICH, ICH)],
                    ibufs[1 - par], isems[1 - par])
            else:

                @pl.when(k < ROWS_PER_W - 1)
                def _():
                    fn, _en = fe(r + 1)
                    pltpu.async_copy(
                        xt_hbm.at[fn].at[pl.ds(0, ICH)], ibufs[0], isems[0])

            if c8 == N_ICH:
                @pl.when(k < ROWS_PER_W - 1)
                def _():
                    fn, en = fe(r + 1)
                    pltpu.async_copy(
                        tab_hbm.at[fn, en].at[pl.ds(0, HALF)], blo, slo)

                pltpu.make_async_copy(row.at[pl.ds(HALF, HIGH)],
                                      bhi, shi).wait()

            idx_v = ibufs[par]
            pltpu.make_async_copy(xt_hbm.at[f].at[pl.ds(jc * ICH, ICH)],
                                  idx_v, isems[par]).wait()

            if c8 < N_ICH:

                @plsc.parallel_loop(0, ICH // 16, unroll=8)
                def _groups(i):
                    g = idx_v[pl.ds(i * 16, 16)]
                    m = g < HALF
                    out_v[pl.ds(jc * ICH + i * 16, 16)] = (
                        plsc.load_gather(blo, [g], mask=m))

            else:

                @plsc.parallel_loop(0, ICH // 16, unroll=8)
                def _groups(i):
                    g = idx_v[pl.ds(i * 16, 16)]
                    m = g >= HALF
                    gh = plsc.load_gather(bhi, [g - HALF], mask=m)
                    plsc.store_scatter(
                        out_v, [lanes + (jc * ICH + i * 16)], gh, mask=m)

        pltpu.sync_copy(out_v, out_hbm.at[r])
        return 0

    lax.fori_loop(0, ROWS_PER_W, _task, 0)

    @pl.when(w < N_CONT)
    def _cont():
        def _cchunk(j, _):
            pltpu.sync_copy(xt_hbm.at[N_CAT + w].at[pl.ds(j * ICH, ICH)], ia)

            @plsc.parallel_loop(0, ICH // 16, unroll=8)
            def _cgroups(i):
                out_v[pl.ds(j * ICH + i * 16, 16)] = (
                    ia[pl.ds(i * 16, 16)].astype(jnp.float32))

            return 0

        lax.fori_loop(0, N_ICH, _cchunk, 0)
        pltpu.sync_copy(out_v, out_hbm.at[N_ROWS + w])


def kernel(x, tables):
    tab_t = jnp.transpose(tables, (0, 2, 1))
    xt = jnp.transpose(x)
    out_t = _emb_kernel(tab_t, xt)
    return jnp.transpose(out_t)

# --- scband reference (transcript-rebuilt; emitter-appended) ---
"""Pipeline reference for scband-embedding-generator-1812476199375 (READ-ONLY COPY).

The authoritative reference and input builder live on the scoring server;
editing this copy changes nothing except your own understanding.
"""

import jax, jax.numpy as jnp
import numpy as np

BATCH = 16384
N_CAT = 26
N_CONT = 26
VOCAB = 100000
EMB_DIM = 16


def setup_inputs(seed: int = 0) -> dict:
    key = jax.random.key(seed)
    k1, k2 = jax.random.split(key)
    # x holds categorical indices in cols 0..25 and (integer-valued) continuous
    # features in cols 26..51; the module casts per-column with .long()/.float().
    x = jax.random.randint(k1, (BATCH, N_CAT + N_CONT), 0, VOCAB, dtype=jnp.int32)
    # 26 embedding tables, each (VOCAB, EMB_DIM), stacked for convenience.
    tables = jax.random.normal(k2, (N_CAT, VOCAB, EMB_DIM), dtype=jnp.float32) * 0.01
    return {"x": x, "tables": tables}


def reference(x, tables):
    # Faithful translation of EmbeddingGenerator.forward:
    # continuous_idx[0:26] == False (categorical), continuous_idx[26:52] == True.
    cols = []
    cat_feat_counter = 0
    for feat_init_idx in range(N_CAT + N_CONT):
        if feat_init_idx >= N_CAT:
            # continuous feature: cast to float, keep as a single column
            cols.append(x[:, feat_init_idx].astype(jnp.float32).reshape(-1, 1))
        else:
            # categorical feature: embedding lookup (gather)
            idx = x[:, feat_init_idx].astype(jnp.int32)
            cols.append(jnp.take(tables[cat_feat_counter], idx, axis=0))
            cat_feat_counter += 1
    post_embeddings = jnp.concatenate(cols, axis=1)
    return post_embeddings

if __name__ == "__main__":
    import jax
    _d = setup_inputs()
    print(jax.jit(kernel)(*tuple(_d.values())))

</pallas_src>

<mosaic_0001>
#map = affine_map<(d0, d1) -> (0, 0, 0)>
#map1 = affine_map<(d0, d1) -> (0, 0)>
module attributes {stable_mosaic.version = 14 : i64} {
  func.func @_emb_kernel(%arg0: i32, %arg1: i32, %arg2: memref<26x16x100000xf32, #tpu.memory_space<hbm>>, %arg3: memref<52x16384xi32, #tpu.memory_space<hbm>>, %arg4: memref<442x16384xf32, #tpu.memory_space<hbm>>, %arg5: memref<49920xf32, #tpu.memory_space<vmem>>, %arg6: memref<50080xf32, #tpu.memory_space<vmem>>, %arg7: memref<4096xi32, #tpu.memory_space<vmem>>, %arg8: memref<4096xi32, #tpu.memory_space<vmem>>, %arg9: memref<16384xf32, #tpu.memory_space<vmem>>, %arg10: memref<!tpu.dma_semaphore, #tpu.memory_space<semaphore_mem>>, %arg11: memref<!tpu.dma_semaphore, #tpu.memory_space<semaphore_mem>>, %arg12: memref<!tpu.dma_semaphore, #tpu.memory_space<semaphore_mem>>, %arg13: memref<!tpu.dma_semaphore, #tpu.memory_space<semaphore_mem>>) attributes {dimension_semantics = [#tpu.dimension_semantics<core_parallel>, #tpu.dimension_semantics<subcore_parallel>], iteration_bounds = array<i64: 2, 16>, scalar_prefetch = 0 : i64, scratch_operands = 9 : i64, tpu.core_type = #tpu.core_type<sc_vector_subcore>, window_params = [{transform_indices = #map}, {transform_indices = #map1}, {transform_indices = #map1}]} {
    %mul3A = arith.constant 2 : i32
    %mul3A_0 = arith.muli %arg1, %mul3A : i32
    %add3A = arith.addi %mul3A_0, %arg0 : i32
    %iota3A = tpu.iota {dimensions = array<i32: 0>} : vector<16xi32>
    %mul3A_1 = arith.constant 13 : i32
    %mul3A_2 = arith.muli %add3A, %mul3A_1 : i32
    %jit3A = arith.constant 16 : i32
    %div3A = arith.divsi %mul3A_2, %jit3A : i32
    %sign3A = arith.constant 0 : i32
    %sign3A_3 = arith.cmpi sgt, %mul3A_2, %sign3A : i32
    %sign3A_4 = arith.extui %sign3A_3 : i1 to i32
    %sign3A_5 = arith.constant 0 : i32
    %sign3A_6 = arith.cmpi slt, %mul3A_2, %sign3A_5 : i32
    %sign3A_7 = arith.extui %sign3A_6 : i1 to i32
    %sign3A_8 = arith.subi %sign3A_4, %sign3A_7 : i32
    %sign3A_9 = arith.constant 0 : i32
    %sign3A_10 = arith.cmpi sgt, %jit3A, %sign3A_9 : i32
    %sign3A_11 = arith.extui %sign3A_10 : i1 to i32
    %sign3A_12 = arith.constant 0 : i32
    %sign3A_13 = arith.cmpi slt, %jit3A, %sign3A_12 : i32
    %sign3A_14 = arith.extui %sign3A_13 : i1 to i32
    %sign3A_15 = arith.subi %sign3A_11, %sign3A_14 : i32
    %ne3A = arith.cmpi ne, %sign3A_8, %sign3A_15 : i32
    %rem3A = arith.remsi %mul3A_2, %jit3A : i32
    %ne3A_16 = arith.constant 0 : i32
    %ne3A_17 = arith.cmpi ne, %rem3A, %ne3A_16 : i32
    %and3A = arith.andi %ne3A, %ne3A_17 : i1
    %sub3A = arith.constant 1 : i32
    %sub3A_18 = arith.subi %div3A, %sub3A : i32
    %select_n3A = arith.select %and3A, %sub3A_18, %div3A : i32
    %jit3A_19 = arith.constant 16 : i32
    %eq3A = arith.constant 0 : i32
    %eq3A_20 = arith.cmpi eq, %jit3A_19, %eq3A : i32
    %jit3A_21 = arith.constant 1 : i32
    %select_n3A_22 = arith.select %eq3A_20, %jit3A_21, %jit3A_19 : i32
    %rem3A_23 = arith.remsi %mul3A_2, %select_n3A_22 : i32
    %ne3A_24 = arith.constant 0 : i32
    %ne3A_25 = arith.cmpi ne, %rem3A_23, %ne3A_24 : i32
    %lt3A = arith.constant 0 : i32
    %lt3A_26 = arith.cmpi slt, %rem3A_23, %lt3A : i32
    %lt3A_27 = arith.constant 0 : i32
    %lt3A_28 = arith.cmpi slt, %select_n3A_22, %lt3A_27 : i32
    %ne3A_29 = arith.xori %lt3A_26, %lt3A_28 : i1
    %and3A_30 = arith.andi %ne3A_29, %ne3A_25 : i1
    %add3A_31 = arith.addi %rem3A_23, %select_n3A_22 : i32
    %select_n3A_32 = arith.select %and3A_30, %add3A_31, %rem3A_23 : i32
    %dma_start3A = arith.constant 0 : i32
    %dma_start3A_33 = tpu.memref_slice %arg2[%select_n3A, %select_n3A_32, %dma_start3A] : memref<26x16x100000xf32, #tpu.memory_space<hbm>> -> memref<1x1x100000xf32, #tpu.memory_space<hbm>>
    %dma_start3A_34 = tpu.memref_squeeze %dma_start3A_33 : memref<1x1x100000xf32, #tpu.memory_space<hbm>> -> memref<100000xf32, #tpu.memory_space<hbm>>
    %dma_start3A_35 = arith.constant 0 : i32
    %dma_start3A_36 = tpu.memref_slice %dma_start3A_34[%dma_start3A_35] : memref<100000xf32, #tpu.memory_space<hbm>> -> memref<49920xf32, #tpu.memory_space<hbm>>
    %dma_start3A_37 = arith.constant 0 : i32
    %dma_start3A_38 = tpu.memref_slice %arg2[%select_n3A, %select_n3A_32, %dma_start3A_37] : memref<26x16x100000xf32, #tpu.memory_space<hbm>> -> memref<1x1x100000xf32, #tpu.memory_space<hbm>>
    %dma_start3A_39 = tpu.memref_squeeze %dma_start3A_38 : memref<1x1x100000xf32, #tpu.memory_space<hbm>> -> memref<100000xf32, #tpu.memory_space<hbm>>
    %dma_start3A_40 = arith.constant 0 : i32
    %dma_start3A_41 = tpu.memref_slice %dma_start3A_39[%dma_start3A_40] : memref<100000xf32, #tpu.memory_space<hbm>> -> memref<49920xf32, #tpu.memory_space<hbm>>
    tpu.enqueue_dma source(%dma_start3A_41 : memref<49920xf32, #tpu.memory_space<hbm>>) target(%arg5 : memref<49920xf32, #tpu.memory_space<vmem>>) target_semaphore(%arg10 : memref<!tpu.dma_semaphore, #tpu.memory_space<semaphore_mem>>)
    %dma_start3A_42 = arith.constant 0 : i32
    %dma_start3A_43 = tpu.memref_slice %arg3[%select_n3A, %dma_start3A_42] : memref<52x16384xi32, #tpu.memory_space<hbm>> -> memref<1x16384xi32, #tpu.memory_space<hbm>>
    %dma_start3A_44 = tpu.memref_squeeze %dma_start3A_43 : memref<1x16384xi32, #tpu.memory_space<hbm>> -> memref<16384xi32, #tpu.memory_space<hbm>>
    %dma_start3A_45 = arith.constant 0 : i32
    %dma_start3A_46 = tpu.memref_slice %dma_start3A_44[%dma_start3A_45] : memref<16384xi32, #tpu.memory_space<hbm>> -> memref<4096xi32, #tpu.memory_space<hbm>>
    %dma_start3A_47 = arith.constant 0 : i32
    %dma_start3A_48 = tpu.memref_slice %arg3[%select_n3A, %dma_start3A_47] : memref<52x16384xi32, #tpu.memory_space<hbm>> -> memref<1x16384xi32, #tpu.memory_space<hbm>>
    %dma_start3A_49 = tpu.memref_squeeze %dma_start3A_48 : memref<1x16384xi32, #tpu.memory_space<hbm>> -> memref<16384xi32, #tpu.memory_space<hbm>>
    %dma_start3A_50 = arith.constant 0 : i32
    %dma_start3A_51 = tpu.memref_slice %dma_start3A_49[%dma_start3A_50] : memref<16384xi32, #tpu.memory_space<hbm>> -> memref<4096xi32, #tpu.memory_space<hbm>>
    tpu.enqueue_dma source(%dma_start3A_51 : memref<4096xi32, #tpu.memory_space<hbm>>) target(%arg7 : memref<4096xi32, #tpu.memory_space<vmem>>) target_semaphore(%arg12 : memref<!tpu.dma_semaphore, #tpu.memory_space<semaphore_mem>>)
    %scan3A = arith.constant 0 : i32
    %scan3A_52 = arith.constant 0 : i32
    %scan3A_53 = arith.constant 13 : i32
    %scan3A_54 = arith.addi %scan3A_52, %scan3A_53 : i32
    %scan3A_55 = arith.constant 1 : i32
    %scan3A_56 = scf.for %scan3A_61 = %scan3A_52 to %scan3A_54 step %scan3A_55 iter_args(%scan3A_62 = %scan3A) -> (i32)  : i32 {
      %mul3A_63 = arith.constant 13 : i32
      %mul3A_64 = arith.muli %add3A, %mul3A_63 : i32
      %add3A_65 = arith.addi %mul3A_64, %scan3A_61 : i32
      %jit3A_66 = arith.constant 16 : i32
      %div3A_67 = arith.divsi %add3A_65, %jit3A_66 : i32
      %sign3A_68 = arith.constant 0 : i32
      %sign3A_69 = arith.cmpi sgt, %add3A_65, %sign3A_68 : i32
      %sign3A_70 = arith.extui %sign3A_69 : i1 to i32
      %sign3A_71 = arith.constant 0 : i32
      %sign3A_72 = arith.cmpi slt, %add3A_65, %sign3A_71 : i32
      %sign3A_73 = arith.extui %sign3A_72 : i1 to i32
      %sign3A_74 = arith.subi %sign3A_70, %sign3A_73 : i32
      %sign3A_75 = arith.constant 0 : i32
      %sign3A_76 = arith.cmpi sgt, %jit3A_66, %sign3A_75 : i32
      %sign3A_77 = arith.extui %sign3A_76 : i1 to i32
      %sign3A_78 = arith.constant 0 : i32
      %sign3A_79 = arith.cmpi slt, %jit3A_66, %sign3A_78 : i32
      %sign3A_80 = arith.extui %sign3A_79 : i1 to i32
      %sign3A_81 = arith.subi %sign3A_77, %sign3A_80 : i32
      %ne3A_82 = arith.cmpi ne, %sign3A_74, %sign3A_81 : i32
      %rem3A_83 = arith.remsi %add3A_65, %jit3A_66 : i32
      %ne3A_84 = arith.constant 0 : i32
      %ne3A_85 = arith.cmpi ne, %rem3A_83, %ne3A_84 : i32
      %and3A_86 = arith.andi %ne3A_82, %ne3A_85 : i1
      %sub3A_87 = arith.constant 1 : i32
      %sub3A_88 = arith.subi %div3A_67, %sub3A_87 : i32
      %select_n3A_89 = arith.select %and3A_86, %sub3A_88, %div3A_67 : i32
      %jit3A_90 = arith.constant 16 : i32
      %eq3A_91 = arith.constant 0 : i32
      %eq3A_92 = arith.cmpi eq, %jit3A_90, %eq3A_91 : i32
      %jit3A_93 = arith.constant 1 : i32
      %select_n3A_94 = arith.select %eq3A_92, %jit3A_93, %jit3A_90 : i32
      %rem3A_95 = arith.remsi %add3A_65, %select_n3A_94 : i32
      %ne3A_96 = arith.constant 0 : i32
      %ne3A_97 = arith.cmpi ne, %rem3A_95, %ne3A_96 : i32
      %lt3A_98 = arith.constant 0 : i32
      %lt3A_99 = arith.cmpi slt, %rem3A_95, %lt3A_98 : i32
      %lt3A_100 = arith.constant 0 : i32
      %lt3A_101 = arith.cmpi slt, %select_n3A_94, %lt3A_100 : i32
      %ne3A_102 = arith.xori %lt3A_99, %lt3A_101 : i1
      %and3A_103 = arith.andi %ne3A_102, %ne3A_97 : i1
      %add3A_104 = arith.addi %rem3A_95, %select_n3A_94 : i32
      %select_n3A_105 = arith.select %and3A_103, %add3A_104, %rem3A_95 : i32
      %dma_start3A_106 = arith.constant 0 : i32
      %dma_start3A_107 = tpu.memref_slice %arg2[%select_n3A_89, %select_n3A_105, %dma_start3A_106] : memref<26x16x100000xf32, #tpu.memory_space<hbm>> -> memref<1x1x100000xf32, #tpu.memory_space<hbm>>
      %dma_start3A_108 = tpu.memref_squeeze %dma_start3A_107 : memref<1x1x100000xf32, #tpu.memory_space<hbm>> -> memref<100000xf32, #tpu.memory_space<hbm>>
      %dma_start3A_109 = arith.constant 49920 : i32
      %dma_start3A_110 = tpu.memref_slice %dma_start3A_108[%dma_start3A_109] : memref<100000xf32, #tpu.memory_space<hbm>> -> memref<50080xf32, #tpu.memory_space<hbm>>
      %dma_start3A_111 = arith.constant 0 : i32
      %dma_start3A_112 = tpu.memref_slice %arg2[%select_n3A_89, %select_n3A_105, %dma_start3A_111] : memref<26x16x100000xf32, #tpu.memory_space<hbm>> -> memref<1x1x100000xf32, #tpu.memory_space<hbm>>
      %dma_start3A_113 = tpu.memref_squeeze %dma_start3A_112 : memref<1x1x100000xf32, #tpu.memory_space<hbm>> -> memref<100000xf32, #tpu.memory_space<hbm>>
      %dma_start3A_114 = arith.constant 49920 : i32
      %dma_start3A_115 = tpu.memref_slice %dma_start3A_113[%dma_start3A_114] : memref<100000xf32, #tpu.memory_space<hbm>> -> memref<50080xf32, #tpu.memory_space<hbm>>
      tpu.enqueue_dma source(%dma_start3A_115 : memref<50080xf32, #tpu.memory_space<hbm>>) target(%arg6 : memref<50080xf32, #tpu.memory_space<vmem>>) target_semaphore(%arg11 : memref<!tpu.dma_semaphore, #tpu.memory_space<semaphore_mem>>)
      %dma_wait3A = arith.constant 0 : i32
      %dma_wait3A_116 = tpu.memref_slice %arg2[%select_n3A_89, %select_n3A_105, %dma_wait3A] : memref<26x16x100000xf32, #tpu.memory_space<hbm>> -> memref<1x1x100000xf32, #tpu.memory_space<hbm>>
      %dma_wait3A_117 = tpu.memref_squeeze %dma_wait3A_116 : memref<1x1x100000xf32, #tpu.memory_space<hbm>> -> memref<100000xf32, #tpu.memory_space<hbm>>
      %dma_wait3A_118 = arith.constant 0 : i32
      %dma_wait3A_119 = tpu.memref_slice %dma_wait3A_117[%dma_wait3A_118] : memref<100000xf32, #tpu.memory_space<hbm>> -> memref<49920xf32, #tpu.memory_space<hbm>>
      %dma_wait3A_120 = arith.constant 0 : i32
      %dma_wait3A_121 = tpu.memref_slice %arg2[%select_n3A_89, %select_n3A_105, %dma_wait3A_120] : memref<26x16x100000xf32, #tpu.memory_space<hbm>> -> memref<1x1x100000xf32, #tpu.memory_space<hbm>>
      %dma_wait3A_122 = tpu.memref_squeeze %dma_wait3A_121 : memref<1x1x100000xf32, #tpu.memory_space<hbm>> -> memref<100000xf32, #tpu.memory_space<hbm>>
      %dma_wait3A_123 = arith.constant 0 : i32
      %dma_wait3A_124 = tpu.memref_slice %dma_wait3A_122[%dma_wait3A_123] : memref<100000xf32, #tpu.memory_space<hbm>> -> memref<49920xf32, #tpu.memory_space<hbm>>
      tpu.wait_dma2 semaphore(%arg10 : memref<!tpu.dma_semaphore, #tpu.memory_space<semaphore_mem>>) src(%dma_wait3A_124 : memref<49920xf32, #tpu.memory_space<hbm>>) dst(%arg5 : memref<49920xf32, #tpu.memory_space<vmem>>)
      %dma_start3A_125 = arith.constant 0 : i32
      %dma_start3A_126 = tpu.memref_slice %arg3[%select_n3A_89, %dma_start3A_125] : memref<52x16384xi32, #tpu.memory_space<hbm>> -> memref<1x16384xi32, #tpu.memory_space<hbm>>
      %dma_start3A_127 = tpu.memref_squeeze %dma_start3A_126 : memref<1x16384xi32, #tpu.memory_space<hbm>> -> memref<16384xi32, #tpu.memory_space<hbm>>
      %dma_start3A_128 = arith.constant 4096 : i32
      %dma_start3A_129 = tpu.memref_slice %dma_start3A_127[%dma_start3A_128] : memref<16384xi32, #tpu.memory_space<hbm>> -> memref<4096xi32, #tpu.memory_space<hbm>>
      %dma_start3A_130 = arith.constant 0 : i32
      %dma_start3A_131 = tpu.memref_slice %arg3[%select_n3A_89, %dma_start3A_130] : memref<52x16384xi32, #tpu.memory_space<hbm>> -> memref<1x16384xi32, #tpu.memory_space<hbm>>
      %dma_start3A_132 = tpu.memref_squeeze %dma_start3A_131 : memref<1x16384xi32, #tpu.memory_space<hbm>> -> memref<16384xi32, #tpu.memory_space<hbm>>
      %dma_start3A_133 = arith.constant 4096 : i32
      %dma_start3A_134 = tpu.memref_slice %dma_start3A_132[%dma_start3A_133] : memref<16384xi32, #tpu.memory_space<hbm>> -> memref<4096xi32, #tpu.memory_space<hbm>>
      tpu.enqueue_dma source(%dma_start3A_134 : memref<4096xi32, #tpu.memory_space<hbm>>) target(%arg8 : memref<4096xi32, #tpu.memory_space<vmem>>) target_semaphore(%arg13 : memref<!tpu.dma_semaphore, #tpu.memory_space<semaphore_mem>>)
      %dma_wait3A_135 = arith.constant 0 : i32
      %dma_wait3A_136 = tpu.memref_slice %arg3[%select_n3A_89, %dma_wait3A_135] : memref<52x16384xi32, #tpu.memory_space<hbm>> -> memref<1x16384xi32, #tpu.memory_space<hbm>>
      %dma_wait3A_137 = tpu.memref_squeeze %dma_wait3A_136 : memref<1x16384xi32, #tpu.memory_space<hbm>> -> memref<16384xi32, #tpu.memory_space<hbm>>
      %dma_wait3A_138 = arith.constant 0 : i32
      %dma_wait3A_139 = tpu.memref_slice %dma_wait3A_137[%dma_wait3A_138] : memref<16384xi32, #tpu.memory_space<hbm>> -> memref<4096xi32, #tpu.memory_space<hbm>>
      %dma_wait3A_140 = arith.constant 0 : i32
      %dma_wait3A_141 = tpu.memref_slice %arg3[%select_n3A_89, %dma_wait3A_140] : memref<52x16384xi32, #tpu.memory_space<hbm>> -> memref<1x16384xi32, #tpu.memory_space<hbm>>
      %dma_wait3A_142 = tpu.memref_squeeze %dma_wait3A_141 : memref<1x16384xi32, #tpu.memory_space<hbm>> -> memref<16384xi32, #tpu.memory_space<hbm>>
      %dma_wait3A_143 = arith.constant 0 : i32
      %dma_wait3A_144 = tpu.memref_slice %dma_wait3A_142[%dma_wait3A_143] : memref<16384xi32, #tpu.memory_space<hbm>> -> memref<4096xi32, #tpu.memory_space<hbm>>
      tpu.wait_dma2 semaphore(%arg12 : memref<!tpu.dma_semaphore, #tpu.memory_space<semaphore_mem>>) src(%dma_wait3A_144 : memref<4096xi32, #tpu.memory_space<hbm>>) dst(%arg7 : memref<4096xi32, #tpu.memory_space<vmem>>)
      %parallel_loop3A = arith.constant 0 : i32
      %parallel_loop3A_145 = arith.constant 256 : i32
      %parallel_loop3A_146 = arith.constant 1 : i32
      scf.for %parallel_loop3A_319 = %parallel_loop3A to %parallel_loop3A_145 step %parallel_loop3A_146  : i32 {
        %parallel_loop3A_320 = arith.constant 16 : i32
        %parallel_loop3A_321 = arith.muli %parallel_loop3A_319, %parallel_loop3A_320 : i32
        %parallel_loop3A_322 = arith.index_cast %parallel_loop3A_321 : i32 to index
        %parallel_loop3A_323 = tpu.vector_load %arg7[%parallel_loop3A_322] {strides = array<i32>} : memref<4096xi32, #tpu.memory_space<vmem>>, vector<16xi32>,
        %parallel_loop3A_324 = arith.constant 49920 : i32
        %parallel_loop3A_325 = vector.broadcast %parallel_loop3A_324 : i32 to vector<16xi32>
        %parallel_loop3A_326 = arith.cmpi slt, %parallel_loop3A_323, %parallel_loop3A_325 : vector<16xi32>
        %parallel_loop3A_327 = tpu.vector_load_idx %arg5[%parallel_loop3A_323] masked %parallel_loop3A_326 : memref<49920xf32, #tpu.memory_space<vmem>>[vector<16xi32>], vector<16xf32>, vector<16xi1>
        %parallel_loop3A_328 = arith.constant 16 : i32
        %parallel_loop3A_329 = arith.muli %parallel_loop3A_319, %parallel_loop3A_328 : i32
        %parallel_loop3A_330 = arith.constant 0 : i32
        %parallel_loop3A_331 = arith.addi %parallel_loop3A_330, %parallel_loop3A_329 : i32
        %parallel_loop3A_332 = arith.index_cast %parallel_loop3A_331 : i32 to index
        %parallel_loop3A_333 = tpu.vector_load %arg9[%parallel_loop3A_332] {strides = array<i32>} : memref<16384xf32, #tpu.memory_space<vmem>>, vector<16xf32>,
        tpu.vector_store %arg9[%parallel_loop3A_332], %parallel_loop3A_327 {strides = array<i32>} : memref<16384xf32, #tpu.memory_space<vmem>>, vector<16xf32>,
      } {sc.loop_unroll_factor = 8 : i64, sc.parallel_access}
      %dma_start3A_147 = arith.constant 0 : i32
      %dma_start3A_148 = tpu.memref_slice %arg3[%select_n3A_89, %dma_start3A_147] : memref<52x16384xi32, #tpu.memory_space<hbm>> -> memref<1x16384xi32, #tpu.memory_space<hbm>>
      %dma_start3A_149 = tpu.memref_squeeze %dma_start3A_148 : memref<1x16384xi32, #tpu.memory_space<hbm>> -> memref<16384xi32, #tpu.memory_space<hbm>>
      %dma_start3A_150 = arith.constant 8192 : i32
      %dma_start3A_151 = tpu.memref_slice %dma_start3A_149[%dma_start3A_150] : memref<16384xi32, #tpu.memory_space<hbm>> -> memref<4096xi32, #tpu.memory_space<hbm>>
      %dma_start3A_152 = arith.constant 0 : i32
      %dma_start3A_153 = tpu.memref_slice %arg3[%select_n3A_89, %dma_start3A_152] : memref<52x16384xi32, #tpu.memory_space<hbm>> -> memref<1x16384xi32, #tpu.memory_space<hbm>>
      %dma_start3A_154 = tpu.memref_squeeze %dma_start3A_153 : memref<1x16384xi32, #tpu.memory_space<hbm>> -> memref<16384xi32, #tpu.memory_space<hbm>>
      %dma_start3A_155 = arith.constant 8192 : i32
      %dma_start3A_156 = tpu.memref_slice %dma_start3A_154[%dma_start3A_155] : memref<16384xi32, #tpu.memory_space<hbm>> -> memref<4096xi32, #tpu.memory_space<hbm>>
      tpu.enqueue_dma source(%dma_start3A_156 : memref<4096xi32, #tpu.memory_space<hbm>>) target(%arg7 : memref<4096xi32, #tpu.memory_space<vmem>>) target_semaphore(%arg12 : memref<!tpu.dma_semaphore, #tpu.memory_space<semaphore_mem>>)
      %dma_wait3A_157 = arith.constant 0 : i32
      %dma_wait3A_158 = tpu.memref_slice %arg3[%select_n3A_89, %dma_wait3A_157] : memref<52x16384xi32, #tpu.memory_space<hbm>> -> memref<1x16384xi32, #tpu.memory_space<hbm>>
      %dma_wait3A_159 = tpu.memref_squeeze %dma_wait3A_158 : memref<1x16384xi32, #tpu.memory_space<hbm>> -> memref<16384xi32, #tpu.memory_space<hbm>>
      %dma_wait3A_160 = arith.constant 4096 : i32
      %dma_wait3A_161 = tpu.memref_slice %dma_wait3A_159[%dma_wait3A_160] : memref<16384xi32, #tpu.memory_space<hbm>> -> memref<4096xi32, #tpu.memory_space<hbm>>
      %dma_wait3A_162 = arith.constant 0 : i32
      %dma_wait3A_163 = tpu.memref_slice %arg3[%select_n3A_89, %dma_wait3A_162] : memref<52x16384xi32, #tpu.memory_space<hbm>> -> memref<1x16384xi32, #tpu.memory_space<hbm>>
      %dma_wait3A_164 = tpu.memref_squeeze %dma_wait3A_163 : memref<1x16384xi32, #tpu.memory_space<hbm>> -> memref<16384xi32, #tpu.memory_space<hbm>>
      %dma_wait3A_165 = arith.constant 4096 : i32
      %dma_wait3A_166 = tpu.memref_slice %dma_wait3A_164[%dma_wait3A_165] : memref<16384xi32, #tpu.memory_space<hbm>> -> memref<4096xi32, #tpu.memory_space<hbm>>
      tpu.wait_dma2 semaphore(%arg13 : memref<!tpu.dma_semaphore, #tpu.memory_space<semaphore_mem>>) src(%dma_wait3A_166 : memref<4096xi32, #tpu.memory_space<hbm>>) dst(%arg8 : memref<4096xi32, #tpu.memory_space<vmem>>)
      %parallel_loop3A_167 = arith.constant 0 : i32
      %parallel_loop3A_168 = arith.constant 256 : i32
      %parallel_loop3A_169 = arith.constant 1 : i32
      scf.for %parallel_loop3A_319 = %parallel_loop3A_167 to %parallel_loop3A_168 step %parallel_loop3A_169  : i32 {
        %parallel_loop3A_320 = arith.constant 16 : i32
        %parallel_loop3A_321 = arith.muli %parallel_loop3A_319, %parallel_loop3A_320 : i32
        %parallel_loop3A_322 = arith.index_cast %parallel_loop3A_321 : i32 to index
        %parallel_loop3A_323 = tpu.vector_load %arg8[%parallel_loop3A_322] {strides = array<i32>} : memref<4096xi32, #tpu.memory_space<vmem>>, vector<16xi32>,
        %parallel_loop3A_324 = arith.constant 49920 : i32
        %parallel_loop3A_325 = vector.broadcast %parallel_loop3A_324 : i32 to vector<16xi32>
        %parallel_loop3A_326 = arith.cmpi slt, %parallel_loop3A_323, %parallel_loop3A_325 : vector<16xi32>
        %parallel_loop3A_327 = tpu.vector_load_idx %arg5[%parallel_loop3A_323] masked %parallel_loop3A_326 : memref<49920xf32, #tpu.memory_space<vmem>>[vector<16xi32>], vector<16xf32>, vector<16xi1>
        %parallel_loop3A_328 = arith.constant 16 : i32
        %parallel_loop3A_329 = arith.muli %parallel_loop3A_319, %parallel_loop3A_328 : i32
        %parallel_loop3A_330 = arith.constant 4096 : i32
        %parallel_loop3A_331 = arith.addi %parallel_loop3A_330, %parallel_loop3A_329 : i32
        %parallel_loop3A_332 = arith.index_cast %parallel_loop3A_331 : i32 to index
        %parallel_loop3A_333 = tpu.vector_load %arg9[%parallel_loop3A_332] {strides = array<i32>} : memref<16384xf32, #tpu.memory_space<vmem>>, vector<16xf32>,
        tpu.vector_store %arg9[%parallel_loop3A_332], %parallel_loop3A_327 {strides = array<i32>} : memref<16384xf32, #tpu.memory_space<vmem>>, vector<16xf32>,
      } {sc.loop_unroll_factor = 8 : i64, sc.parallel_access}
      %dma_start3A_170 = arith.constant 0 : i32
      %dma_start3A_171 = tpu.memref_slice %arg3[%select_n3A_89, %dma_start3A_170] : memref<52x16384xi32, #tpu.memory_space<hbm>> -> memref<1x16384xi32, #tpu.memory_space<hbm>>
      %dma_start3A_172 = tpu.memref_squeeze %dma_start3A_171 : memref<1x16384xi32, #tpu.memory_space<hbm>> -> memref<16384xi32, #tpu.memory_space<hbm>>
      %dma_start3A_173 = arith.constant 12288 : i32
      %dma_start3A_174 = tpu.memref_slice %dma_start3A_172[%dma_start3A_173] : memref<16384xi32, #tpu.memory_space<hbm>> -> memref<4096xi32, #tpu.memory_space<hbm>>
      %dma_start3A_175 = arith.constant 0 : i32
      %dma_start3A_176 = tpu.memref_slice %arg3[%select_n3A_89, %dma_start3A_175] : memref<52x16384xi32, #tpu.memory_space<hbm>> -> memref<1x16384xi32, #tpu.memory_space<hbm>>
      %dma_start3A_177 = tpu.memref_squeeze %dma_start3A_176 : memref<1x16384xi32, #tpu.memory_space<hbm>> -> memref<16384xi32, #tpu.memory_space<hbm>>
      %dma_start3A_178 = arith.constant 12288 : i32
      %dma_start3A_179 = tpu.memref_slice %dma_start3A_177[%dma_start3A_178] : memref<16384xi32, #tpu.memory_space<hbm>> -> memref<4096xi32, #tpu.memory_space<hbm>>
      tpu.enqueue_dma source(%dma_start3A_179 : memref<4096xi32, #tpu.memory_space<hbm>>) target(%arg8 : memref<4096xi32, #tpu.memory_space<vmem>>) target_semaphore(%arg13 : memref<!tpu.dma_semaphore, #tpu.memory_space<semaphore_mem>>)
      %dma_wait3A_180 = arith.constant 0 : i32
      %dma_wait3A_181 = tpu.memref_slice %arg3[%select_n3A_89, %dma_wait3A_180] : memref<52x16384xi32, #tpu.memory_space<hbm>> -> memref<1x16384xi32, #tpu.memory_space<hbm>>
      %dma_wait3A_182 = tpu.memref_squeeze %dma_wait3A_181 : memref<1x16384xi32, #tpu.memory_space<hbm>> -> memref<16384xi32, #tpu.memory_space<hbm>>
      %dma_wait3A_183 = arith.constant 8192 : i32
      %dma_wait3A_184 = tpu.memref_slice %dma_wait3A_182[%dma_wait3A_183] : memref<16384xi32, #tpu.memory_space<hbm>> -> memref<4096xi32, #tpu.memory_space<hbm>>
      %dma_wait3A_185 = arith.constant 0 : i32
      %dma_wait3A_186 = tpu.memref_slice %arg3[%select_n3A_89, %dma_wait3A_185] : memref<52x16384xi32, #tpu.memory_space<hbm>> -> memref<1x16384xi32, #tpu.memory_space<hbm>>
      %dma_wait3A_187 = tpu.memref_squeeze %dma_wait3A_186 : memref<1x16384xi32, #tpu.memory_space<hbm>> -> memref<16384xi32, #tpu.memory_space<hbm>>
      %dma_wait3A_188 = arith.constant 8192 : i32
      %dma_wait3A_189 = tpu.memref_slice %dma_wait3A_187[%dma_wait3A_188] : memref<16384xi32, #tpu.memory_space<hbm>> -> memref<4096xi32, #tpu.memory_space<hbm>>
      tpu.wait_dma2 semaphore(%arg12 : memref<!tpu.dma_semaphore, #tpu.memory_space<semaphore_mem>>) src(%dma_wait3A_189 : memref<4096xi32, #tpu.memory_space<hbm>>) dst(%arg7 : memref<4096xi32, #tpu.memory_space<vmem>>)
      %parallel_loop3A_190 = arith.constant 0 : i32
      %parallel_loop3A_191 = arith.constant 256 : i32
      %parallel_loop3A_192 = arith.constant 1 : i32
      scf.for %parallel_loop3A_319 = %parallel_loop3A_190 to %parallel_loop3A_191 step %parallel_loop3A_192  : i32 {
        %parallel_loop3A_320 = arith.constant 16 : i32
        %parallel_loop3A_321 = arith.muli %parallel_loop3A_319, %parallel_loop3A_320 : i32
        %parallel_loop3A_322 = arith.index_cast %parallel_loop3A_321 : i32 to index
        %parallel_loop3A_323 = tpu.vector_load %arg7[%parallel_loop3A_322] {strides = array<i32>} : memref<4096xi32, #tpu.memory_space<vmem>>, vector<16xi32>,
        %parallel_loop3A_324 = arith.constant 49920 : i32
        %parallel_loop3A_325 = vector.broadcast %parallel_loop3A_324 : i32 to vector<16xi32>
        %parallel_loop3A_326 = arith.cmpi slt, %parallel_loop3A_323, %parallel_loop3A_325 : vector<16xi32>
        %parallel_loop3A_327 = tpu.vector_load_idx %arg5[%parallel_loop3A_323] masked %parallel_loop3A_326 : memref<49920xf32, #tpu.memory_space<vmem>>[vector<16xi32>], vector<16xf32>, vector<16xi1>
        %parallel_loop3A_328 = arith.constant 16 : i32
        %parallel_loop3A_329 = arith.muli %parallel_loop3A_319, %parallel_loop3A_328 : i32
        %parallel_loop3A_330 = arith.constant 8192 : i32
        %parallel_loop3A_331 = arith.addi %parallel_loop3A_330, %parallel_loop3A_329 : i32
        %parallel_loop3A_332 = arith.index_cast %parallel_loop3A_331 : i32 to index
        %parallel_loop3A_333 = tpu.vector_load %arg9[%parallel_loop3A_332] {strides = array<i32>} : memref<16384xf32, #tpu.memory_space<vmem>>, vector<16xf32>,
        tpu.vector_store %arg9[%parallel_loop3A_332], %parallel_loop3A_327 {strides = array<i32>} : memref<16384xf32, #tpu.memory_space<vmem>>, vector<16xf32>,
      } {sc.loop_unroll_factor = 8 : i64, sc.parallel_access}
      %dma_start3A_193 = arith.constant 0 : i32
      %dma_start3A_194 = tpu.memref_slice %arg3[%select_n3A_89, %dma_start3A_193] : memref<52x16384xi32, #tpu.memory_space<hbm>> -> memref<1x16384xi32, #tpu.memory_space<hbm>>
      %dma_start3A_195 = tpu.memref_squeeze %dma_start3A_194 : memref<1x16384xi32, #tpu.memory_space<hbm>> -> memref<16384xi32, #tpu.memory_space<hbm>>
      %dma_start3A_196 = arith.constant 0 : i32
      %dma_start3A_197 = tpu.memref_slice %dma_start3A_195[%dma_start3A_196] : memref<16384xi32, #tpu.memory_space<hbm>> -> memref<4096xi32, #tpu.memory_space<hbm>>
      %dma_start3A_198 = arith.constant 0 : i32
      %dma_start3A_199 = tpu.memref_slice %arg3[%select_n3A_89, %dma_start3A_198] : memref<52x16384xi32, #tpu.memory_space<hbm>> -> memref<1x16384xi32, #tpu.memory_space<hbm>>
      %dma_start3A_200 = tpu.memref_squeeze %dma_start3A_199 : memref<1x16384xi32, #tpu.memory_space<hbm>> -> memref<16384xi32, #tpu.memory_space<hbm>>
      %dma_start3A_201 = arith.constant 0 : i32
      %dma_start3A_202 = tpu.memref_slice %dma_start3A_200[%dma_start3A_201] : memref<16384xi32, #tpu.memory_space<hbm>> -> memref<4096xi32, #tpu.memory_space<hbm>>
      tpu.enqueue_dma source(%dma_start3A_202 : memref<4096xi32, #tpu.memory_space<hbm>>) target(%arg7 : memref<4096xi32, #tpu.memory_space<vmem>>) target_semaphore(%arg12 : memref<!tpu.dma_semaphore, #tpu.memory_space<semaphore_mem>>)
      %dma_wait3A_203 = arith.constant 0 : i32
      %dma_wait3A_204 = tpu.memref_slice %arg3[%select_n3A_89, %dma_wait3A_203] : memref<52x16384xi32, #tpu.memory_space<hbm>> -> memref<1x16384xi32, #tpu.memory_space<hbm>>
      %dma_wait3A_205 = tpu.memref_squeeze %dma_wait3A_204 : memref<1x16384xi32, #tpu.memory_space<hbm>> -> memref<16384xi32, #tpu.memory_space<hbm>>
      %dma_wait3A_206 = arith.constant 12288 : i32
      %dma_wait3A_207 = tpu.memref_slice %dma_wait3A_205[%dma_wait3A_206] : memref<16384xi32, #tpu.memory_space<hbm>> -> memref<4096xi32, #tpu.memory_space<hbm>>
      %dma_wait3A_208 = arith.constant 0 : i32
      %dma_wait3A_209 = tpu.memref_slice %arg3[%select_n3A_89, %dma_wait3A_208] : memref<52x16384xi32, #tpu.memory_space<hbm>> -> memref<1x16384xi32, #tpu.memory_space<hbm>>
      %dma_wait3A_210 = tpu.memref_squeeze %dma_wait3A_209 : memref<1x16384xi32, #tpu.memory_space<hbm>> -> memref<16384xi32, #tpu.memory_space<hbm>>
      %dma_wait3A_211 = arith.constant 12288 : i32
      %dma_wait3A_212 = tpu.memref_slice %dma_wait3A_210[%dma_wait3A_211] : memref<16384xi32, #tpu.memory_space<hbm>> -> memref<4096xi32, #tpu.memory_space<hbm>>
      tpu.wait_dma2 semaphore(%arg13 : memref<!tpu.dma_semaphore, #tpu.memory_space<semaphore_mem>>) src(%dma_wait3A_212 : memref<4096xi32, #tpu.memory_space<hbm>>) dst(%arg8 : memref<4096xi32, #tpu.memory_space<vmem>>)
      %parallel_loop3A_213 = arith.constant 0 : i32
      %parallel_loop3A_214 = arith.constant 256 : i32
      %parallel_loop3A_215 = arith.constant 1 : i32
      scf.for %parallel_loop3A_319 = %parallel_loop3A_213 to %parallel_loop3A_214 step %parallel_loop3A_215  : i32 {
        %parallel_loop3A_320 = arith.constant 16 : i32
        %parallel_loop3A_321 = arith.muli %parallel_loop3A_319, %parallel_loop3A_320 : i32
        %parallel_loop3A_322 = arith.index_cast %parallel_loop3A_321 : i32 to index
        %parallel_loop3A_323 = tpu.vector_load %arg8[%parallel_loop3A_322] {strides = array<i32>} : memref<4096xi32, #tpu.memory_space<vmem>>, vector<16xi32>,
        %parallel_loop3A_324 = arith.constant 49920 : i32
        %parallel_loop3A_325 = vector.broadcast %parallel_loop3A_324 : i32 to vector<16xi32>
        %parallel_loop3A_326 = arith.cmpi slt, %parallel_loop3A_323, %parallel_loop3A_325 : vector<16xi32>
        %parallel_loop3A_327 = tpu.vector_load_idx %arg5[%parallel_loop3A_323] masked %parallel_loop3A_326 : memref<49920xf32, #tpu.memory_space<vmem>>[vector<16xi32>], vector<16xf32>, vector<16xi1>
        %parallel_loop3A_328 = arith.constant 16 : i32
        %parallel_loop3A_329 = arith.muli %parallel_loop3A_319, %parallel_loop3A_328 : i32
        %parallel_loop3A_330 = arith.constant 12288 : i32
        %parallel_loop3A_331 = arith.addi %parallel_loop3A_330, %parallel_loop3A_329 : i32
        %parallel_loop3A_332 = arith.index_cast %parallel_loop3A_331 : i32 to index
        %parallel_loop3A_333 = tpu.vector_load %arg9[%parallel_loop3A_332] {strides = array<i32>} : memref<16384xf32, #tpu.memory_space<vmem>>, vector<16xf32>,
        tpu.vector_store %arg9[%parallel_loop3A_332], %parallel_loop3A_327 {strides = array<i32>} : memref<16384xf32, #tpu.memory_space<vmem>>, vector<16xf32>,
      } {sc.loop_unroll_factor = 8 : i64, sc.parallel_access}
      %dma_start3A_216 = arith.constant 0 : i32
      %dma_start3A_217 = tpu.memref_slice %arg3[%select_n3A_89, %dma_start3A_216] : memref<52x16384xi32, #tpu.memory_space<hbm>> -> memref<1x16384xi32, #tpu.memory_space<hbm>>
      %dma_start3A_218 = tpu.memref_squeeze %dma_start3A_217 : memref<1x16384xi32, #tpu.memory_space<hbm>> -> memref<16384xi32, #tpu.memory_space<hbm>>
      %dma_start3A_219 = arith.constant 4096 : i32
      %dma_start3A_220 = tpu.memref_slice %dma_start3A_218[%dma_start3A_219] : memref<16384xi32, #tpu.memory_space<hbm>> -> memref<4096xi32, #tpu.memory_space<hbm>>
      %dma_start3A_221 = arith.constant 0 : i32
      %dma_start3A_222 = tpu.memref_slice %arg3[%select_n3A_89, %dma_start3A_221] : memref<52x16384xi32, #tpu.memory_space<hbm>> -> memref<1x16384xi32, #tpu.memory_space<hbm>>
      %dma_start3A_223 = tpu.memref_squeeze %dma_start3A_222 : memref<1x16384xi32, #tpu.memory_space<hbm>> -> memref<16384xi32, #tpu.memory_space<hbm>>
      %dma_start3A_224 = arith.constant 4096 : i32
      %dma_start3A_225 = tpu.memref_slice %dma_start3A_223[%dma_start3A_224] : memref<16384xi32, #tpu.memory_space<hbm>> -> memref<4096xi32, #tpu.memory_space<hbm>>
      tpu.enqueue_dma source(%dma_start3A_225 : memref<4096xi32, #tpu.memory_space<hbm>>) target(%arg8 : memref<4096xi32, #tpu.memory_space<vmem>>) target_semaphore(%arg13 : memref<!tpu.dma_semaphore, #tpu.memory_space<semaphore_mem>>)
      %lt3A_226 = arith.constant 12 : i32
      %lt3A_227 = arith.cmpi slt, %scan3A_61, %lt3A_226 : i32
      %convert_element_type3A_228 = arith.extui %lt3A_227 : i1 to i32
      %cond3A_229 = arith.constant 0 : i32
      %cond3A_230 = arith.cmpi ne, %convert_element_type3A_228, %cond3A_229 : i32
      scf.if %cond3A_230 {
        %add3A_319 = arith.constant 1 : i32
        %add3A_320 = arith.addi %add3A_65, %add3A_319 : i32
        %jit3A_321 = arith.constant 16 : i32
        %div3A_322 = arith.divsi %add3A_320, %jit3A_321 : i32
        %sign3A_323 = arith.constant 0 : i32
        %sign3A_324 = arith.cmpi sgt, %add3A_320, %sign3A_323 : i32
        %sign3A_325 = arith.extui %sign3A_324 : i1 to i32
        %sign3A_326 = arith.constant 0 : i32
        %sign3A_327 = arith.cmpi slt, %add3A_320, %sign3A_326 : i32
        %sign3A_328 = arith.extui %sign3A_327 : i1 to i32
        %sign3A_329 = arith.subi %sign3A_325, %sign3A_328 : i32
        %sign3A_330 = arith.constant 0 : i32
        %sign3A_331 = arith.cmpi sgt, %jit3A_321, %sign3A_330 : i32
        %sign3A_332 = arith.extui %sign3A_331 : i1 to i32
        %sign3A_333 = arith.constant 0 : i32
        %sign3A_334 = arith.cmpi slt, %jit3A_321, %sign3A_333 : i32
        %sign3A_335 = arith.extui %sign3A_334 : i1 to i32
        %sign3A_336 = arith.subi %sign3A_332, %sign3A_335 : i32
        %ne3A_337 = arith.cmpi ne, %sign3A_329, %sign3A_336 : i32
        %rem3A_338 = arith.remsi %add3A_320, %jit3A_321 : i32
        %ne3A_339 = arith.constant 0 : i32
        %ne3A_340 = arith.cmpi ne, %rem3A_338, %ne3A_339 : i32
        %and3A_341 = arith.andi %ne3A_337, %ne3A_340 : i1
        %sub3A_342 = arith.constant 1 : i32
        %sub3A_343 = arith.subi %div3A_322, %sub3A_342 : i32
        %select_n3A_344 = arith.select %and3A_341, %sub3A_343, %div3A_322 : i32
        %jit3A_345 = arith.constant 16 : i32
        %eq3A_346 = arith.constant 0 : i32
        %eq3A_347 = arith.cmpi eq, %jit3A_345, %eq3A_346 : i32
        %jit3A_348 = arith.constant 1 : i32
        %select_n3A_349 = arith.select %eq3A_347, %jit3A_348, %jit3A_345 : i32
        %rem3A_350 = arith.remsi %add3A_320, %select_n3A_349 : i32
        %ne3A_351 = arith.constant 0 : i32
        %ne3A_352 = arith.cmpi ne, %rem3A_350, %ne3A_351 : i32
        %lt3A_353 = arith.constant 0 : i32
        %lt3A_354 = arith.cmpi slt, %rem3A_350, %lt3A_353 : i32
        %lt3A_355 = arith.constant 0 : i32
        %lt3A_356 = arith.cmpi slt, %select_n3A_349, %lt3A_355 : i32
        %ne3A_357 = arith.xori %lt3A_354, %lt3A_356 : i1
        %and3A_358 = arith.andi %ne3A_357, %ne3A_352 : i1
        %add3A_359 = arith.addi %rem3A_350, %select_n3A_349 : i32
        %select_n3A_360 = arith.select %and3A_358, %add3A_359, %rem3A_350 : i32
        %dma_start3A_361 = arith.constant 0 : i32
        %dma_start3A_362 = tpu.memref_slice %arg2[%select_n3A_344, %select_n3A_360, %dma_start3A_361] : memref<26x16x100000xf32, #tpu.memory_space<hbm>> -> memref<1x1x100000xf32, #tpu.memory_space<hbm>>
        %dma_start3A_363 = tpu.memref_squeeze %dma_start3A_362 : memref<1x1x100000xf32, #tpu.memory_space<hbm>> -> memref<100000xf32, #tpu.memory_space<hbm>>
        %dma_start3A_364 = arith.constant 0 : i32
        %dma_start3A_365 = tpu.memref_slice %dma_start3A_363[%dma_start3A_364] : memref<100000xf32, #tpu.memory_space<hbm>> -> memref<49920xf32, #tpu.memory_space<hbm>>
        %dma_start3A_366 = arith.constant 0 : i32
        %dma_start3A_367 = tpu.memref_slice %arg2[%select_n3A_344, %select_n3A_360, %dma_start3A_366] : memref<26x16x100000xf32, #tpu.memory_space<hbm>> -> memref<1x1x100000xf32, #tpu.memory_space<hbm>>
        %dma_start3A_368 = tpu.memref_squeeze %dma_start3A_367 : memref<1x1x100000xf32, #tpu.memory_space<hbm>> -> memref<100000xf32, #tpu.memory_space<hbm>>
        %dma_start3A_369 = arith.constant 0 : i32
        %dma_start3A_370 = tpu.memref_slice %dma_start3A_368[%dma_start3A_369] : memref<100000xf32, #tpu.memory_space<hbm>> -> memref<49920xf32, #tpu.memory_space<hbm>>
        tpu.enqueue_dma source(%dma_start3A_370 : memref<49920xf32, #tpu.memory_space<hbm>>) target(%arg5 : memref<49920xf32, #tpu.memory_space<vmem>>) target_semaphore(%arg10 : memref<!tpu.dma_semaphore, #tpu.memory_space<semaphore_mem>>)
      } else {
      }
      %dma_wait3A_231 = arith.constant 0 : i32
      %dma_wait3A_232 = tpu.memref_slice %arg2[%select_n3A_89, %select_n3A_105, %dma_wait3A_231] : memref<26x16x100000xf32, #tpu.memory_space<hbm>> -> memref<1x1x100000xf32, #tpu.memory_space<hbm>>
      %dma_wait3A_233 = tpu.memref_squeeze %dma_wait3A_232 : memref<1x1x100000xf32, #tpu.memory_space<hbm>> -> memref<100000xf32, #tpu.memory_space<hbm>>
      %dma_wait3A_234 = arith.constant 49920 : i32
      %dma_wait3A_235 = tpu.memref_slice %dma_wait3A_233[%dma_wait3A_234] : memref<100000xf32, #tpu.memory_space<hbm>> -> memref<50080xf32, #tpu.memory_space<hbm>>
      %dma_wait3A_236 = arith.constant 0 : i32
      %dma_wait3A_237 = tpu.memref_slice %arg2[%select_n3A_89, %select_n3A_105, %dma_wait3A_236] : memref<26x16x100000xf32, #tpu.memory_space<hbm>> -> memref<1x1x100000xf32, #tpu.memory_space<hbm>>
      %dma_wait3A_238 = tpu.memref_squeeze %dma_wait3A_237 : memref<1x1x100000xf32, #tpu.memory_space<hbm>> -> memref<100000xf32, #tpu.memory_space<hbm>>
      %dma_wait3A_239 = arith.constant 49920 : i32
      %dma_wait3A_240 = tpu.memref_slice %dma_wait3A_238[%dma_wait3A_239] : memref<100000xf32, #tpu.memory_space<hbm>> -> memref<50080xf32, #tpu.memory_space<hbm>>
      tpu.wait_dma2 semaphore(%arg11 : memref<!tpu.dma_semaphore, #tpu.memory_space<semaphore_mem>>) src(%dma_wait3A_240 : memref<50080xf32, #tpu.memory_space<hbm>>) dst(%arg6 : memref<50080xf32, #tpu.memory_space<vmem>>)
      %dma_wait3A_241 = arith.constant 0 : i32
      %dma_wait3A_242 = tpu.memref_slice %arg3[%select_n3A_89, %dma_wait3A_241] : memref<52x16384xi32, #tpu.memory_space<hbm>> -> memref<1x16384xi32, #tpu.memory_space<hbm>>
      %dma_wait3A_243 = tpu.memref_squeeze %dma_wait3A_242 : memref<1x16384xi32, #tpu.memory_space<hbm>> -> memref<16384xi32, #tpu.memory_space<hbm>>
      %dma_wait3A_244 = arith.constant 0 : i32
      %dma_wait3A_245 = tpu.memref_slice %dma_wait3A_243[%dma_wait3A_244] : memref<16384xi32, #tpu.memory_space<hbm>> -> memref<4096xi32, #tpu.memory_space<hbm>>
      %dma_wait3A_246 = arith.constant 0 : i32
      %dma_wait3A_247 = tpu.memref_slice %arg3[%select_n3A_89, %dma_wait3A_246] : memref<52x16384xi32, #tpu.memory_space<hbm>> -> memref<1x16384xi32, #tpu.memory_space<hbm>>
      %dma_wait3A_248 = tpu.memref_squeeze %dma_wait3A_247 : memref<1x16384xi32, #tpu.memory_space<hbm>> -> memref<16384xi32, #tpu.memory_space<hbm>>
      %dma_wait3A_249 = arith.constant 0 : i32
      %dma_wait3A_250 = tpu.memref_slice %dma_wait3A_248[%dma_wait3A_249] : memref<16384xi32, #tpu.memory_space<hbm>> -> memref<4096xi32, #tpu.memory_space<hbm>>
      tpu.wait_dma2 semaphore(%arg12 : memref<!tpu.dma_semaphore, #tpu.memory_space<semaphore_mem>>) src(%dma_wait3A_250 : memref<4096xi32, #tpu.memory_space<hbm>>) dst(%arg7 : memref<4096xi32, #tpu.memory_space<vmem>>)
      %parallel_loop3A_251 = arith.constant 0 : i32
      %parallel_loop3A_252 = arith.constant 256 : i32
      %parallel_loop3A_253 = arith.constant 1 : i32
      scf.for %parallel_loop3A_319 = %parallel_loop3A_251 to %parallel_loop3A_252 step %parallel_loop3A_253  : i32 {
        %parallel_loop3A_320 = arith.constant 16 : i32
        %parallel_loop3A_321 = arith.muli %parallel_loop3A_319, %parallel_loop3A_320 : i32
        %parallel_loop3A_322 = arith.index_cast %parallel_loop3A_321 : i32 to index
        %parallel_loop3A_323 = tpu.vector_load %arg7[%parallel_loop3A_322] {strides = array<i32>} : memref<4096xi32, #tpu.memory_space<vmem>>, vector<16xi32>,
        %parallel_loop3A_324 = arith.constant 49920 : i32
        %parallel_loop3A_325 = vector.broadcast %parallel_loop3A_324 : i32 to vector<16xi32>
        %parallel_loop3A_326 = arith.cmpi sge, %parallel_loop3A_323, %parallel_loop3A_325 : vector<16xi32>
        %parallel_loop3A_327 = arith.constant 49920 : i32
        %parallel_loop3A_328 = vector.broadcast %parallel_loop3A_327 : i32 to vector<16xi32>
        %parallel_loop3A_329 = arith.subi %parallel_loop3A_323, %parallel_loop3A_328 : vector<16xi32>
        %parallel_loop3A_330 = tpu.vector_load_idx %arg6[%parallel_loop3A_329] masked %parallel_loop3A_326 : memref<50080xf32, #tpu.memory_space<vmem>>[vector<16xi32>], vector<16xf32>, vector<16xi1>
        %parallel_loop3A_331 = arith.constant 16 : i32
        %parallel_loop3A_332 = arith.muli %parallel_loop3A_319, %parallel_loop3A_331 : i32
        %parallel_loop3A_333 = arith.constant 0 : i32
        %parallel_loop3A_334 = arith.addi %parallel_loop3A_333, %parallel_loop3A_332 : i32
        %parallel_loop3A_335 = vector.broadcast %parallel_loop3A_334 : i32 to vector<16xi32>
        %parallel_loop3A_336 = arith.addi %iota3A, %parallel_loop3A_335 : vector<16xi32>
        tpu.vector_store_idx %arg9[%parallel_loop3A_336], %parallel_loop3A_330 masked %parallel_loop3A_326 : memref<16384xf32, #tpu.memory_space<vmem>>[vector<16xi32>], vector<16xf32>, vector<16xi1>
      } {sc.loop_unroll_factor = 8 : i64, sc.parallel_access}
      %dma_start3A_254 = arith.constant 0 : i32
      %dma_start3A_255 = tpu.memref_slice %arg3[%select_n3A_89, %dma_start3A_254] : memref<52x16384xi32, #tpu.memory_space<hbm>> -> memref<1x16384xi32, #tpu.memory_space<hbm>>
      %dma_start3A_256 = tpu.memref_squeeze %dma_start3A_255 : memref<1x16384xi32, #tpu.memory_space<hbm>> -> memref<16384xi32, #tpu.memory_space<hbm>>
      %dma_start3A_257 = arith.constant 8192 : i32
      %dma_start3A_258 = tpu.memref_slice %dma_start3A_256[%dma_start3A_257] : memref<16384xi32, #tpu.memory_space<hbm>> -> memref<4096xi32, #tpu.memory_space<hbm>>
      %dma_start3A_259 = arith.constant 0 : i32
      %dma_start3A_260 = tpu.memref_slice %arg3[%select_n3A_89, %dma_start3A_259] : memref<52x16384xi32, #tpu.memory_space<hbm>> -> memref<1x16384xi32, #tpu.memory_space<hbm>>
      %dma_start3A_261 = tpu.memref_squeeze %dma_start3A_260 : memref<1x16384xi32, #tpu.memory_space<hbm>> -> memref<16384xi32, #tpu.memory_space<hbm>>
      %dma_start3A_262 = arith.constant 8192 : i32
      %dma_start3A_263 = tpu.memref_slice %dma_start3A_261[%dma_start3A_262] : memref<16384xi32, #tpu.memory_space<hbm>> -> memref<4096xi32, #tpu.memory_space<hbm>>
      tpu.enqueue_dma source(%dma_start3A_263 : memref<4096xi32, #tpu.memory_space<hbm>>) target(%arg7 : memref<4096xi32, #tpu.memory_space<vmem>>) target_semaphore(%arg12 : memref<!tpu.dma_semaphore, #tpu.memory_space<semaphore_mem>>)
      %dma_wait3A_264 = arith.constant 0 : i32
      %dma_wait3A_265 = tpu.memref_slice %arg3[%select_n3A_89, %dma_wait3A_264] : memref<52x16384xi32, #tpu.memory_space<hbm>> -> memref<1x16384xi32, #tpu.memory_space<hbm>>
      %dma_wait3A_266 = tpu.memref_squeeze %dma_wait3A_265 : memref<1x16384xi32, #tpu.memory_space<hbm>> -> memref<16384xi32, #tpu.memory_space<hbm>>
      %dma_wait3A_267 = arith.constant 4096 : i32
      %dma_wait3A_268 = tpu.memref_slice %dma_wait3A_266[%dma_wait3A_267] : memref<16384xi32, #tpu.memory_space<hbm>> -> memref<4096xi32, #tpu.memory_space<hbm>>
      %dma_wait3A_269 = arith.constant 0 : i32
      %dma_wait3A_270 = tpu.memref_slice %arg3[%select_n3A_89, %dma_wait3A_269] : memref<52x16384xi32, #tpu.memory_space<hbm>> -> memref<1x16384xi32, #tpu.memory_space<hbm>>
      %dma_wait3A_271 = tpu.memref_squeeze %dma_wait3A_270 : memref<1x16384xi32, #tpu.memory_space<hbm>> -> memref<16384xi32, #tpu.memory_space<hbm>>
      %dma_wait3A_272 = arith.constant 4096 : i32
      %dma_wait3A_273 = tpu.memref_slice %dma_wait3A_271[%dma_wait3A_272] : memref<16384xi32, #tpu.memory_space<hbm>> -> memref<4096xi32, #tpu.memory_space<hbm>>
      tpu.wait_dma2 semaphore(%arg13 : memref<!tpu.dma_semaphore, #tpu.memory_space<semaphore_mem>>) src(%dma_wait3A_273 : memref<4096xi32, #tpu.memory_space<hbm>>) dst(%arg8 : memref<4096xi32, #tpu.memory_space<vmem>>)
      %parallel_loop3A_274 = arith.constant 0 : i32
      %parallel_loop3A_275 = arith.constant 256 : i32
      %parallel_loop3A_276 = arith.constant 1 : i32
      scf.for %parallel_loop3A_319 = %parallel_loop3A_274 to %parallel_loop3A_275 step %parallel_loop3A_276  : i32 {
        %parallel_loop3A_320 = arith.constant 16 : i32
        %parallel_loop3A_321 = arith.muli %parallel_loop3A_319, %parallel_loop3A_320 : i32
        %parallel_loop3A_322 = arith.index_cast %parallel_loop3A_321 : i32 to index
        %parallel_loop3A_323 = tpu.vector_load %arg8[%parallel_loop3A_322] {strides = array<i32>} : memref<4096xi32, #tpu.memory_space<vmem>>, vector<16xi32>,
        %parallel_loop3A_324 = arith.constant 49920 : i32
        %parallel_loop3A_325 = vector.broadcast %parallel_loop3A_324 : i32 to vector<16xi32>
        %parallel_loop3A_326 = arith.cmpi sge, %parallel_loop3A_323, %parallel_loop3A_325 : vector<16xi32>
        %parallel_loop3A_327 = arith.constant 49920 : i32
        %parallel_loop3A_328 = vector.broadcast %parallel_loop3A_327 : i32 to vector<16xi32>
        %parallel_loop3A_329 = arith.subi %parallel_loop3A_323, %parallel_loop3A_328 : vector<16xi32>
        %parallel_loop3A_330 = tpu.vector_load_idx %arg6[%parallel_loop3A_329] masked %parallel_loop3A_326 : memref<50080xf32, #tpu.memory_space<vmem>>[vector<16xi32>], vector<16xf32>, vector<16xi1>
        %parallel_loop3A_331 = arith.constant 16 : i32
        %parallel_loop3A_332 = arith.muli %parallel_loop3A_319, %parallel_loop3A_331 : i32
        %parallel_loop3A_333 = arith.constant 4096 : i32
        %parallel_loop3A_334 = arith.addi %parallel_loop3A_333, %parallel_loop3A_332 : i32
        %parallel_loop3A_335 = vector.broadcast %parallel_loop3A_334 : i32 to vector<16xi32>
        %parallel_loop3A_336 = arith.addi %iota3A, %parallel_loop3A_335 : vector<16xi32>
        tpu.vector_store_idx %arg9[%parallel_loop3A_336], %parallel_loop3A_330 masked %parallel_loop3A_326 : memref<16384xf32, #tpu.memory_space<vmem>>[vector<16xi32>], vector<16xf32>, vector<16xi1>
      } {sc.loop_unroll_factor = 8 : i64, sc.parallel_access}
      %dma_start3A_277 = arith.constant 0 : i32
      %dma_start3A_278 = tpu.memref_slice %arg3[%select_n3A_89, %dma_start3A_277] : memref<52x16384xi32, #tpu.memory_space<hbm>> -> memref<1x16384xi32, #tpu.memory_space<hbm>>
      %dma_start3A_279 = tpu.memref_squeeze %dma_start3A_278 : memref<1x16384xi32, #tpu.memory_space<hbm>> -> memref<16384xi32, #tpu.memory_space<hbm>>
      %dma_start3A_280 = arith.constant 12288 : i32
      %dma_start3A_281 = tpu.memref_slice %dma_start3A_279[%dma_start3A_280] : memref<16384xi32, #tpu.memory_space<hbm>> -> memref<4096xi32, #tpu.memory_space<hbm>>
      %dma_start3A_282 = arith.constant 0 : i32
      %dma_start3A_283 = tpu.memref_slice %arg3[%select_n3A_89, %dma_start3A_282] : memref<52x16384xi32, #tpu.memory_space<hbm>> -> memref<1x16384xi32, #tpu.memory_space<hbm>>
      %dma_start3A_284 = tpu.memref_squeeze %dma_start3A_283 : memref<1x16384xi32, #tpu.memory_space<hbm>> -> memref<16384xi32, #tpu.memory_space<hbm>>
      %dma_start3A_285 = arith.constant 12288 : i32
      %dma_start3A_286 = tpu.memref_slice %dma_start3A_284[%dma_start3A_285] : memref<16384xi32, #tpu.memory_space<hbm>> -> memref<4096xi32, #tpu.memory_space<hbm>>
      tpu.enqueue_dma source(%dma_start3A_286 : memref<4096xi32, #tpu.memory_space<hbm>>) target(%arg8 : memref<4096xi32, #tpu.memory_space<vmem>>) target_semaphore(%arg13 : memref<!tpu.dma_semaphore, #tpu.memory_space<semaphore_mem>>)
      %dma_wait3A_287 = arith.constant 0 : i32
      %dma_wait3A_288 = tpu.memref_slice %arg3[%select_n3A_89, %dma_wait3A_287] : memref<52x16384xi32, #tpu.memory_space<hbm>> -> memref<1x16384xi32, #tpu.memory_space<hbm>>
      %dma_wait3A_289 = tpu.memref_squeeze %dma_wait3A_288 : memref<1x16384xi32, #tpu.memory_space<hbm>> -> memref<16384xi32, #tpu.memory_space<hbm>>
      %dma_wait3A_290 = arith.constant 8192 : i32
      %dma_wait3A_291 = tpu.memref_slice %dma_wait3A_289[%dma_wait3A_290] : memref<16384xi32, #tpu.memory_space<hbm>> -> memref<4096xi32, #tpu.memory_space<hbm>>
      %dma_wait3A_292 = arith.constant 0 : i32
      %dma_wait3A_293 = tpu.memref_slice %arg3[%select_n3A_89, %dma_wait3A_292] : memref<52x16384xi32, #tpu.memory_space<hbm>> -> memref<1x16384xi32, #tpu.memory_space<hbm>>
      %dma_wait3A_294 = tpu.memref_squeeze %dma_wait3A_293 : memref<1x16384xi32, #tpu.memory_space<hbm>> -> memref<16384xi32, #tpu.memory_space<hbm>>
      %dma_wait3A_295 = arith.constant 8192 : i32
      %dma_wait3A_296 = tpu.memref_slice %dma_wait3A_294[%dma_wait3A_295] : memref<16384xi32, #tpu.memory_space<hbm>> -> memref<4096xi32, #tpu.memory_space<hbm>>
      tpu.wait_dma2 semaphore(%arg12 : memref<!tpu.dma_semaphore, #tpu.memory_space<semaphore_mem>>) src(%dma_wait3A_296 : memref<4096xi32, #tpu.memory_space<hbm>>) dst(%arg7 : memref<4096xi32, #tpu.memory_space<vmem>>)
      %parallel_loop3A_297 = arith.constant 0 : i32
      %parallel_loop3A_298 = arith.constant 256 : i32
      %parallel_loop3A_299 = arith.constant 1 : i32
      scf.for %parallel_loop3A_319 = %parallel_loop3A_297 to %parallel_loop3A_298 step %parallel_loop3A_299  : i32 {
        %parallel_loop3A_320 = arith.constant 16 : i32
        %parallel_loop3A_321 = arith.muli %parallel_loop3A_319, %parallel_loop3A_320 : i32
        %parallel_loop3A_322 = arith.index_cast %parallel_loop3A_321 : i32 to index
        %parallel_loop3A_323 = tpu.vector_load %arg7[%parallel_loop3A_322] {strides = array<i32>} : memref<4096xi32, #tpu.memory_space<vmem>>, vector<16xi32>,
        %parallel_loop3A_324 = arith.constant 49920 : i32
        %parallel_loop3A_325 = vector.broadcast %parallel_loop3A_324 : i32 to vector<16xi32>
        %parallel_loop3A_326 = arith.cmpi sge, %parallel_loop3A_323, %parallel_loop3A_325 : vector<16xi32>
        %parallel_loop3A_327 = arith.constant 49920 : i32
        %parallel_loop3A_328 = vector.broadcast %parallel_loop3A_327 : i32 to vector<16xi32>
        %parallel_loop3A_329 = arith.subi %parallel_loop3A_323, %parallel_loop3A_328 : vector<16xi32>
        %parallel_loop3A_330 = tpu.vector_load_idx %arg6[%parallel_loop3A_329] masked %parallel_loop3A_326 : memref<50080xf32, #tpu.memory_space<vmem>>[vector<16xi32>], vector<16xf32>, vector<16xi1>
        %parallel_loop3A_331 = arith.constant 16 : i32
        %parallel_loop3A_332 = arith.muli %parallel_loop3A_319, %parallel_loop3A_331 : i32
        %parallel_loop3A_333 = arith.constant 8192 : i32
        %parallel_loop3A_334 = arith.addi %parallel_loop3A_333, %parallel_loop3A_332 : i32
        %parallel_loop3A_335 = vector.broadcast %parallel_loop3A_334 : i32 to vector<16xi32>
        %parallel_loop3A_336 = arith.addi %iota3A, %parallel_loop3A_335 : vector<16xi32>
        tpu.vector_store_idx %arg9[%parallel_loop3A_336], %parallel_loop3A_330 masked %parallel_loop3A_326 : memref<16384xf32, #tpu.memory_space<vmem>>[vector<16xi32>], vector<16xf32>, vector<16xi1>
      } {sc.loop_unroll_factor = 8 : i64, sc.parallel_access}
      %lt3A_300 = arith.constant 12 : i32
      %lt3A_301 = arith.cmpi slt, %scan3A_61, %lt3A_300 : i32
      %convert_element_type3A_302 = arith.extui %lt3A_301 : i1 to i32
      %cond3A_303 = arith.constant 0 : i32
      %cond3A_304 = arith.cmpi ne, %convert_element_type3A_302, %cond3A_303 : i32
      scf.if %cond3A_304 {
        %add3A_319 = arith.constant 1 : i32
        %add3A_320 = arith.addi %add3A_65, %add3A_319 : i32
        %jit3A_321 = arith.constant 16 : i32
        %div3A_322 = arith.divsi %add3A_320, %jit3A_321 : i32
        %sign3A_323 = arith.constant 0 : i32
        %sign3A_324 = arith.cmpi sgt, %add3A_320, %sign3A_323 : i32
        %sign3A_325 = arith.extui %sign3A_324 : i1 to i32
        %sign3A_326 = arith.constant 0 : i32
        %sign3A_327 = arith.cmpi slt, %add3A_320, %sign3A_326 : i32
        %sign3A_328 = arith.extui %sign3A_327 : i1 to i32
        %sign3A_329 = arith.subi %sign3A_325, %sign3A_328 : i32
        %sign3A_330 = arith.constant 0 : i32
        %sign3A_331 = arith.cmpi sgt, %jit3A_321, %sign3A_330 : i32
        %sign3A_332 = arith.extui %sign3A_331 : i1 to i32
        %sign3A_333 = arith.constant 0 : i32
        %sign3A_334 = arith.cmpi slt, %jit3A_321, %sign3A_333 : i32
        %sign3A_335 = arith.extui %sign3A_334 : i1 to i32
        %sign3A_336 = arith.subi %sign3A_332, %sign3A_335 : i32
        %ne3A_337 = arith.cmpi ne, %sign3A_329, %sign3A_336 : i32
        %rem3A_338 = arith.remsi %add3A_320, %jit3A_321 : i32
        %ne3A_339 = arith.constant 0 : i32
        %ne3A_340 = arith.cmpi ne, %rem3A_338, %ne3A_339 : i32
        %and3A_341 = arith.andi %ne3A_337, %ne3A_340 : i1
        %sub3A_342 = arith.constant 1 : i32
        %sub3A_343 = arith.subi %div3A_322, %sub3A_342 : i32
        %select_n3A_344 = arith.select %and3A_341, %sub3A_343, %div3A_322 : i32
        %jit3A_345 = arith.constant 16 : i32
        %eq3A_346 = arith.constant 0 : i32
        %eq3A_347 = arith.cmpi eq, %jit3A_345, %eq3A_346 : i32
        %jit3A_348 = arith.constant 1 : i32
        %select_n3A_349 = arith.select %eq3A_347, %jit3A_348, %jit3A_345 : i32
        %rem3A_350 = arith.remsi %add3A_320, %select_n3A_349 : i32
        %ne3A_351 = arith.constant 0 : i32
        %ne3A_352 = arith.cmpi ne, %rem3A_350, %ne3A_351 : i32
        %lt3A_353 = arith.constant 0 : i32
        %lt3A_354 = arith.cmpi slt, %rem3A_350, %lt3A_353 : i32
        %lt3A_355 = arith.constant 0 : i32
        %lt3A_356 = arith.cmpi slt, %select_n3A_349, %lt3A_355 : i32
        %ne3A_357 = arith.xori %lt3A_354, %lt3A_356 : i1
        %and3A_358 = arith.andi %ne3A_357, %ne3A_352 : i1
        %add3A_359 = arith.addi %rem3A_350, %select_n3A_349 : i32
        %select_n3A_360 = arith.select %and3A_358, %add3A_359, %rem3A_350 : i32
        %dma_start3A_361 = arith.constant 0 : i32
        %dma_start3A_362 = tpu.memref_slice %arg3[%select_n3A_344, %dma_start3A_361] : memref<52x16384xi32, #tpu.memory_space<hbm>> -> memref<1x16384xi32, #tpu.memory_space<hbm>>
        %dma_start3A_363 = tpu.memref_squeeze %dma_start3A_362 : memref<1x16384xi32, #tpu.memory_space<hbm>> -> memref<16384xi32, #tpu.memory_space<hbm>>
        %dma_start3A_364 = arith.constant 0 : i32
        %dma_start3A_365 = tpu.memref_slice %dma_start3A_363[%dma_start3A_364] : memref<16384xi32, #tpu.memory_space<hbm>> -> memref<4096xi32, #tpu.memory_space<hbm>>
        %dma_start3A_366 = arith.constant 0 : i32
        %dma_start3A_367 = tpu.memref_slice %arg3[%select_n3A_344, %dma_start3A_366] : memref<52x16384xi32, #tpu.memory_space<hbm>> -> memref<1x16384xi32, #tpu.memory_space<hbm>>
        %dma_start3A_368 = tpu.memref_squeeze %dma_start3A_367 : memref<1x16384xi32, #tpu.memory_space<hbm>> -> memref<16384xi32, #tpu.memory_space<hbm>>
        %dma_start3A_369 = arith.constant 0 : i32
        %dma_start3A_370 = tpu.memref_slice %dma_start3A_368[%dma_start3A_369] : memref<16384xi32, #tpu.memory_space<hbm>> -> memref<4096xi32, #tpu.memory_space<hbm>>
        tpu.enqueue_dma source(%dma_start3A_370 : memref<4096xi32, #tpu.memory_space<hbm>>) target(%arg7 : memref<4096xi32, #tpu.memory_space<vmem>>) target_semaphore(%arg12 : memref<!tpu.dma_semaphore, #tpu.memory_space<semaphore_mem>>)
      } else {
      }
      %dma_wait3A_305 = arith.constant 0 : i32
      %dma_wait3A_306 = tpu.memref_slice %arg3[%select_n3A_89, %dma_wait3A_305] : memref<52x16384xi32, #tpu.memory_space<hbm>> -> memref<1x16384xi32, #tpu.memory_space<hbm>>
      %dma_wait3A_307 = tpu.memref_squeeze %dma_wait3A_306 : memref<1x16384xi32, #tpu.memory_space<hbm>> -> memref<16384xi32, #tpu.memory_space<hbm>>
      %dma_wait3A_308 = arith.constant 12288 : i32
      %dma_wait3A_309 = tpu.memref_slice %dma_wait3A_307[%dma_wait3A_308] : memref<16384xi32, #tpu.memory_space<hbm>> -> memref<4096xi32, #tpu.memory_space<hbm>>
      %dma_wait3A_310 = arith.constant 0 : i32
      %dma_wait3A_311 = tpu.memref_slice %arg3[%select_n3A_89, %dma_wait3A_310] : memref<52x16384xi32, #tpu.memory_space<hbm>> -> memref<1x16384xi32, #tpu.memory_space<hbm>>
      %dma_wait3A_312 = tpu.memref_squeeze %dma_wait3A_311 : memref<1x16384xi32, #tpu.memory_space<hbm>> -> memref<16384xi32, #tpu.memory_space<hbm>>
      %dma_wait3A_313 = arith.constant 12288 : i32
      %dma_wait3A_314 = tpu.memref_slice %dma_wait3A_312[%dma_wait3A_313] : memref<16384xi32, #tpu.memory_space<hbm>> -> memref<4096xi32, #tpu.memory_space<hbm>>
      tpu.wait_dma2 semaphore(%arg13 : memref<!tpu.dma_semaphore, #tpu.memory_space<semaphore_mem>>) src(%dma_wait3A_314 : memref<4096xi32, #tpu.memory_space<hbm>>) dst(%arg8 : memref<4096xi32, #tpu.memory_space<vmem>>)
      %parallel_loop3A_315 = arith.constant 0 : i32
      %parallel_loop3A_316 = arith.constant 256 : i32
      %parallel_loop3A_317 = arith.constant 1 : i32
      scf.for %parallel_loop3A_319 = %parallel_loop3A_315 to %parallel_loop3A_316 step %parallel_loop3A_317  : i32 {
        %parallel_loop3A_320 = arith.constant 16 : i32
        %parallel_loop3A_321 = arith.muli %parallel_loop3A_319, %parallel_loop3A_320 : i32
        %parallel_loop3A_322 = arith.index_cast %parallel_loop3A_321 : i32 to index
        %parallel_loop3A_323 = tpu.vector_load %arg8[%parallel_loop3A_322] {strides = array<i32>} : memref<4096xi32, #tpu.memory_space<vmem>>, vector<16xi32>,
        %parallel_loop3A_324 = arith.constant 49920 : i32
        %parallel_loop3A_325 = vector.broadcast %parallel_loop3A_324 : i32 to vector<16xi32>
        %parallel_loop3A_326 = arith.cmpi sge, %parallel_loop3A_323, %parallel_loop3A_325 : vector<16xi32>
        %parallel_loop3A_327 = arith.constant 49920 : i32
        %parallel_loop3A_328 = vector.broadcast %parallel_loop3A_327 : i32 to vector<16xi32>
        %parallel_loop3A_329 = arith.subi %parallel_loop3A_323, %parallel_loop3A_328 : vector<16xi32>
        %parallel_loop3A_330 = tpu.vector_load_idx %arg6[%parallel_loop3A_329] masked %parallel_loop3A_326 : memref<50080xf32, #tpu.memory_space<vmem>>[vector<16xi32>], vector<16xf32>, vector<16xi1>
        %parallel_loop3A_331 = arith.constant 16 : i32
        %parallel_loop3A_332 = arith.muli %parallel_loop3A_319, %parallel_loop3A_331 : i32
        %parallel_loop3A_333 = arith.constant 12288 : i32
        %parallel_loop3A_334 = arith.addi %parallel_loop3A_333, %parallel_loop3A_332 : i32
        %parallel_loop3A_335 = vector.broadcast %parallel_loop3A_334 : i32 to vector<16xi32>
        %parallel_loop3A_336 = arith.addi %iota3A, %parallel_loop3A_335 : vector<16xi32>
        tpu.vector_store_idx %arg9[%parallel_loop3A_336], %parallel_loop3A_330 masked %parallel_loop3A_326 : memref<16384xf32, #tpu.memory_space<vmem>>[vector<16xi32>], vector<16xf32>, vector<16xi1>
      } {sc.loop_unroll_factor = 8 : i64, sc.parallel_access}
      "tpu.region"() ({
        %run_scoped3A = tpu.sem_alloc : memref<!tpu.dma_semaphore, #tpu.memory_space<semaphore_mem>>
        %dma_start3A_319 = arith.constant 0 : i32
        %dma_start3A_320 = tpu.memref_slice %arg4[%add3A_65, %dma_start3A_319] : memref<442x16384xf32, #tpu.memory_space<hbm>> -> memref<1x16384xf32, #tpu.memory_space<hbm>>
        %dma_start3A_321 = tpu.memref_squeeze %dma_start3A_320 : memref<1x16384xf32, #tpu.memory_space<hbm>> -> memref<16384xf32, #tpu.memory_space<hbm>>
        %dma_start3A_322 = arith.constant 0 : i32
        %dma_start3A_323 = tpu.memref_slice %arg4[%add3A_65, %dma_start3A_322] : memref<442x16384xf32, #tpu.memory_space<hbm>> -> memref<1x16384xf32, #tpu.memory_space<hbm>>
        %dma_start3A_324 = tpu.memref_squeeze %dma_start3A_323 : memref<1x16384xf32, #tpu.memory_space<hbm>> -> memref<16384xf32, #tpu.memory_space<hbm>>
        tpu.enqueue_dma source(%arg9 : memref<16384xf32, #tpu.memory_space<vmem>>) target(%dma_start3A_324 : memref<16384xf32, #tpu.memory_space<hbm>>) target_semaphore(%run_scoped3A : memref<!tpu.dma_semaphore, #tpu.memory_space<semaphore_mem>>)
        %dma_wait3A_325 = arith.constant 0 : i32
        %dma_wait3A_326 = tpu.memref_slice %arg4[%add3A_65, %dma_wait3A_325] : memref<442x16384xf32, #tpu.memory_space<hbm>> -> memref<1x16384xf32, #tpu.memory_space<hbm>>
        %dma_wait3A_327 = tpu.memref_squeeze %dma_wait3A_326 : memref<1x16384xf32, #tpu.memory_space<hbm>> -> memref<16384xf32, #tpu.memory_space<hbm>>
        %dma_wait3A_328 = arith.constant 0 : i32
        %dma_wait3A_329 = tpu.memref_slice %arg4[%add3A_65, %dma_wait3A_328] : memref<442x16384xf32, #tpu.memory_space<hbm>> -> memref<1x16384xf32, #tpu.memory_space<hbm>>
        %dma_wait3A_330 = tpu.memref_squeeze %dma_wait3A_329 : memref<1x16384xf32, #tpu.memory_space<hbm>> -> memref<16384xf32, #tpu.memory_space<hbm>>
        tpu.wait_dma2 semaphore(%run_scoped3A : memref<!tpu.dma_semaphore, #tpu.memory_space<semaphore_mem>>) src(%arg9 : memref<16384xf32, #tpu.memory_space<vmem>>) dst(%dma_wait3A_330 : memref<16384xf32, #tpu.memory_space<hbm>>)
        tpu.yield
      }) : () -> ()
      %scan3A_318 = arith.constant 0 : i32
      scf.yield %scan3A_318 : i32
    }
    %scan3A_57 = arith.constant 13 : i32
    %lt3A_58 = arith.constant 26 : i32
    %lt3A_59 = arith.cmpi slt, %add3A, %lt3A_58 : i32
    %convert_element_type3A = arith.extui %lt3A_59 : i1 to i32
    %cond3A = arith.constant 0 : i32
    %cond3A_60 = arith.cmpi ne, %convert_element_type3A, %cond3A : i32
    scf.if %cond3A_60 {
      %scan3A_61 = arith.constant 0 : i32
      %scan3A_62 = arith.constant 0 : i32
      %scan3A_63 = arith.constant 4 : i32
      %scan3A_64 = arith.addi %scan3A_62, %scan3A_63 : i32
      %scan3A_65 = arith.constant 1 : i32
      %scan3A_66 = scf.for %scan3A_70 = %scan3A_62 to %scan3A_64 step %scan3A_65 iter_args(%scan3A_71 = %scan3A_61) -> (i32)  : i32 {
        %add3A_72 = arith.constant 26 : i32
        %add3A_73 = arith.addi %add3A_72, %add3A : i32
        %mul3A_74 = arith.constant 4096 : i32
        %mul3A_75 = arith.muli %scan3A_70, %mul3A_74 : i32
        "tpu.region"() ({
          %run_scoped3A = tpu.sem_alloc : memref<!tpu.dma_semaphore, #tpu.memory_space<semaphore_mem>>
          %dma_start3A_79 = arith.constant 0 : i32
          %dma_start3A_80 = tpu.memref_slice %arg3[%add3A_73, %dma_start3A_79] : memref<52x16384xi32, #tpu.memory_space<hbm>> -> memref<1x16384xi32, #tpu.memory_space<hbm>>
          %dma_start3A_81 = tpu.memref_squeeze %dma_start3A_80 : memref<1x16384xi32, #tpu.memory_space<hbm>> -> memref<16384xi32, #tpu.memory_space<hbm>>
          %dma_start3A_82 = tpu.memref_slice %dma_start3A_81[%mul3A_75] : memref<16384xi32, #tpu.memory_space<hbm>> -> memref<4096xi32, #tpu.memory_space<hbm>>
          %dma_start3A_83 = arith.constant 0 : i32
          %dma_start3A_84 = tpu.memref_slice %arg3[%add3A_73, %dma_start3A_83] : memref<52x16384xi32, #tpu.memory_space<hbm>> -> memref<1x16384xi32, #tpu.memory_space<hbm>>
          %dma_start3A_85 = tpu.memref_squeeze %dma_start3A_84 : memref<1x16384xi32, #tpu.memory_space<hbm>> -> memref<16384xi32, #tpu.memory_space<hbm>>
          %dma_start3A_86 = tpu.memref_slice %dma_start3A_85[%mul3A_75] : memref<16384xi32, #tpu.memory_space<hbm>> -> memref<4096xi32, #tpu.memory_space<hbm>>
          tpu.enqueue_dma source(%dma_start3A_86 : memref<4096xi32, #tpu.memory_space<hbm>>) target(%arg7 : memref<4096xi32, #tpu.memory_space<vmem>>) target_semaphore(%run_scoped3A : memref<!tpu.dma_semaphore, #tpu.memory_space<semaphore_mem>>)
          %dma_wait3A = arith.constant 0 : i32
          %dma_wait3A_87 = tpu.memref_slice %arg3[%add3A_73, %dma_wait3A] : memref<52x16384xi32, #tpu.memory_space<hbm>> -> memref<1x16384xi32, #tpu.memory_space<hbm>>
          %dma_wait3A_88 = tpu.memref_squeeze %dma_wait3A_87 : memref<1x16384xi32, #tpu.memory_space<hbm>> -> memref<16384xi32, #tpu.memory_space<hbm>>
          %dma_wait3A_89 = tpu.memref_slice %dma_wait3A_88[%mul3A_75] : memref<16384xi32, #tpu.memory_space<hbm>> -> memref<4096xi32, #tpu.memory_space<hbm>>
          %dma_wait3A_90 = arith.constant 0 : i32
          %dma_wait3A_91 = tpu.memref_slice %arg3[%add3A_73, %dma_wait3A_90] : memref<52x16384xi32, #tpu.memory_space<hbm>> -> memref<1x16384xi32, #tpu.memory_space<hbm>>
          %dma_wait3A_92 = tpu.memref_squeeze %dma_wait3A_91 : memref<1x16384xi32, #tpu.memory_space<hbm>> -> memref<16384xi32, #tpu.memory_space<hbm>>
          %dma_wait3A_93 = tpu.memref_slice %dma_wait3A_92[%mul3A_75] : memref<16384xi32, #tpu.memory_space<hbm>> -> memref<4096xi32, #tpu.memory_space<hbm>>
          tpu.wait_dma2 semaphore(%run_scoped3A : memref<!tpu.dma_semaphore, #tpu.memory_space<semaphore_mem>>) src(%dma_wait3A_93 : memref<4096xi32, #tpu.memory_space<hbm>>) dst(%arg7 : memref<4096xi32, #tpu.memory_space<vmem>>)
          tpu.yield
        }) : () -> ()
        %parallel_loop3A = arith.constant 0 : i32
        %parallel_loop3A_76 = arith.constant 256 : i32
        %parallel_loop3A_77 = arith.constant 1 : i32
        scf.for %parallel_loop3A_79 = %parallel_loop3A to %parallel_loop3A_76 step %parallel_loop3A_77  : i32 {
          %parallel_loop3A_80 = arith.constant 16 : i32
          %parallel_loop3A_81 = arith.muli %parallel_loop3A_79, %parallel_loop3A_80 : i32
          %parallel_loop3A_82 = arith.index_cast %parallel_loop3A_81 : i32 to index
          %parallel_loop3A_83 = tpu.vector_load %arg7[%parallel_loop3A_82] {strides = array<i32>} : memref<4096xi32, #tpu.memory_space<vmem>>, vector<16xi32>,
          %parallel_loop3A_84 = arith.sitofp %parallel_loop3A_83 : vector<16xi32> to vector<16xf32>
          %parallel_loop3A_85 = arith.constant 4096 : i32
          %parallel_loop3A_86 = arith.muli %scan3A_70, %parallel_loop3A_85 : i32
          %parallel_loop3A_87 = arith.constant 16 : i32
          %parallel_loop3A_88 = arith.muli %parallel_loop3A_79, %parallel_loop3A_87 : i32
          %parallel_loop3A_89 = arith.addi %parallel_loop3A_86, %parallel_loop3A_88 : i32
          %parallel_loop3A_90 = arith.index_cast %parallel_loop3A_89 : i32 to index
          %parallel_loop3A_91 = tpu.vector_load %arg9[%parallel_loop3A_90] {strides = array<i32>} : memref<16384xf32, #tpu.memory_space<vmem>>, vector<16xf32>,
          tpu.vector_store %arg9[%parallel_loop3A_90], %parallel_loop3A_84 {strides = array<i32>} : memref<16384xf32, #tpu.memory_space<vmem>>, vector<16xf32>,
        } {sc.loop_unroll_factor = 8 : i64, sc.parallel_access}
        %scan3A_78 = arith.constant 0 : i32
        scf.yield %scan3A_78 : i32
      }
      %scan3A_67 = arith.constant 4 : i32
      %add3A_68 = arith.constant 416 : i32
      %add3A_69 = arith.addi %add3A_68, %add3A : i32
      "tpu.region"() ({
        %run_scoped3A = tpu.sem_alloc : memref<!tpu.dma_semaphore, #tpu.memory_space<semaphore_mem>>
        %dma_start3A_70 = arith.constant 0 : i32
        %dma_start3A_71 = tpu.memref_slice %arg4[%add3A_69, %dma_start3A_70] : memref<442x16384xf32, #tpu.memory_space<hbm>> -> memref<1x16384xf32, #tpu.memory_space<hbm>>
        %dma_start3A_72 = tpu.memref_squeeze %dma_start3A_71 : memref<1x16384xf32, #tpu.memory_space<hbm>> -> memref<16384xf32, #tpu.memory_space<hbm>>
        %dma_start3A_73 = arith.constant 0 : i32
        %dma_start3A_74 = tpu.memref_slice %arg4[%add3A_69, %dma_start3A_73] : memref<442x16384xf32, #tpu.memory_space<hbm>> -> memref<1x16384xf32, #tpu.memory_space<hbm>>
        %dma_start3A_75 = tpu.memref_squeeze %dma_start3A_74 : memref<1x16384xf32, #tpu.memory_space<hbm>> -> memref<16384xf32, #tpu.memory_space<hbm>>
        tpu.enqueue_dma source(%arg9 : memref<16384xf32, #tpu.memory_space<vmem>>) target(%dma_start3A_75 : memref<16384xf32, #tpu.memory_space<hbm>>) target_semaphore(%run_scoped3A : memref<!tpu.dma_semaphore, #tpu.memory_space<semaphore_mem>>)
        %dma_wait3A = arith.constant 0 : i32
        %dma_wait3A_76 = tpu.memref_slice %arg4[%add3A_69, %dma_wait3A] : memref<442x16384xf32, #tpu.memory_space<hbm>> -> memref<1x16384xf32, #tpu.memory_space<hbm>>
        %dma_wait3A_77 = tpu.memref_squeeze %dma_wait3A_76 : memref<1x16384xf32, #tpu.memory_space<hbm>> -> memref<16384xf32, #tpu.memory_space<hbm>>
        %dma_wait3A_78 = arith.constant 0 : i32
        %dma_wait3A_79 = tpu.memref_slice %arg4[%add3A_69, %dma_wait3A_78] : memref<442x16384xf32, #tpu.memory_space<hbm>> -> memref<1x16384xf32, #tpu.memory_space<hbm>>
        %dma_wait3A_80 = tpu.memref_squeeze %dma_wait3A_79 : memref<1x16384xf32, #tpu.memory_space<hbm>> -> memref<16384xf32, #tpu.memory_space<hbm>>
        tpu.wait_dma2 semaphore(%run_scoped3A : memref<!tpu.dma_semaphore, #tpu.memory_space<semaphore_mem>>) src(%arg9 : memref<16384xf32, #tpu.memory_space<vmem>>) dst(%dma_wait3A_80 : memref<16384xf32, #tpu.memory_space<hbm>>)
        tpu.yield
      }) : () -> ()
    } else {
    }
    return
  }
}

</mosaic_0001>

<sc_bundles>
// kernel: kernel.3.cloned.1.call-start
scs
__scs_entry_jumppad:
0x0: {  	(pc) =	sbr.rel $0x88, $3  }
0x1: {  	(tag) =	ssettag $0x0;
	lr =	simm.s32 $0x1  }
0x2: {  	[smem:$0x3F9F] =	sst lr;
	_ =	strace $0xD0000000  }
0x3: {  	_ = 	snop  }
0x4: {  	_ = 	snop  }
0x5: {  	_ = 	snop  }
0x6: {  	_ = 	snop  }
0x7: {  	_ = 	snop  }
__scs_overlays_trampoline_lowered:
0x8: {  	[smem:$0x3FAE] =	sst s0  }
0x9: {  	[smem:$0x3FAF] =	sst s1  }
0xa: {  	[smem:$0x3FB0] =	sst s2  }
0xb: {  	[smem:$0x3FB1] =	sst s3  }
0xc: {  	[smem:$0x3FB2] =	sst s4  }
0xd: {  	[smem:$0x3FB3] =	sst s5  }
0xe: {  	[smem:$0x3FB4] =	sst s6  }
0xf: {  	[smem:$0x3FB5] =	sst s7  }
0x10: {  	[smem:$0x3FB6] =	sst s8  }
0x11: {  	[smem:$0x3FB7] =	sst s9;
	s0 =	simm.s32 @!p0 $0x0  }
0x12: {  	s1 =	sld [smem:$0x3F9D];
	s0 =	simm.s32 @p0 $0x1  }
0x13: {  	[smem:$0x3FB8] =	sst s0;
	s0 =	simm.s32 @!p1 $0x0  }
0x14: {  	s2 =	sld [smem:$0x3F9C];
	s0 =	simm.s32 @p1 $0x1  }
0x15: {  	[smem:$0x3FB9] =	sst s0;
	s0 =	simm.s32 @!p2 $0x0  }
0x16: {  	s3 =	sld [smem:$0x3FDB];
	s0 =	simm.s32 @p2 $0x1  }
0x17: {  	s4 =	simm.s32 $0x1BF5;
	[smem:$0x3FBB] =	sst s0  }
0x18: {  	s0 =	sld [smem:$0x3F9E];
	_ =	swait.ge [sflag:s4], $0x0  }
0x19: {  	s7 =	sld [smem:$0x3F9F]  }
0x1a: {  	s8 =	sadd.s32 $0xFFFFE003, lr  }
0x1b: {  	s9 =	sadd.s32 $0xFFFFFEF7, lr;
	s5 =	simm.s32 $0xFFFFFFFF;
	p2 =	slt.u32 s8, $0xFFFFF086  }
0x1c: {  	p1 =	slt.u32 s9, $0xF7A;
	s5 =	simm.s32 @!p2 $0x0  }
0x1d: {  	s5 =	simm.s32 @p1 $0x1;
	p0 =	seq.s32 s7, s2  }
0x1e: {  	s7 =	smul.u32 @!p0 $0xF7A, s2;
	p2 =	seq.s32 @!p0 s5, $0x0  }
0x1f: {  	s9 =	smul.u32 $0xF7A, s1;
	s8 =	simm.s32 @!p0 $0x1BF5;
	p2 =	por !p2, p0  }
0x20: {  	[sflag:s8] =	ssyncset.s32 @!p0 $0xFFFFF086;
	s6 =	sadd.s32 @!p0 s3, s7;
	s7 =	simm.s32 @!p0 $0x108  }
0x21: {  	s3 =	sadd.s32 s3, s9;
	s6 =	sadd.s32 @!p0 $0x88, s6;
	s7 =	simm.s32 @p2 $0x1082  }
0x22: {  	[simem:s7], [sflag:s8] =	dma.local @!p0 [hbm:s6], $0xF7A  }
0x23: {  	s9 =	sor.u32 $0xD0000000, s2;
	s6 =	simm.s32 $0x108;
	_ =	swait.ge @!p0 [sflag:s8], $0x0  }
0x24: {  	s3 =	sadd.s32 $0x88, s3;
	s6 =	simm.s32 @!p1 $0x1082;
	[sflag:s4] =	ssyncset.s32 $0xFFFFF086  }
0x25: {  	[simem:s6], [sflag:s4] =	dma.local [hbm:s3], $0xF7A  }
0x26: {  	[smem:$0x3F9F] =	sst s1;
	(tag) =	ssettag s2;
	_ =	strace s9  }
0x27: {  	s1 =	sld [smem:$0x3FAF]  }
0x28: {  	s2 =	sld [smem:$0x3FB0]  }
0x29: {  	s4 =	sld [smem:$0x3FB2]  }
0x2a: {  	p0 =	seq.s32 s5, $0x0;
	s5 =	sld [smem:$0x3FB3]  }
0x2b: {  	s6 =	sld [smem:$0x3FB4]  }
0x2c: {  	s7 =	sld [smem:$0x3FB5]  }
0x2d: {  	s3 =	simm.s32 $0x108;
	s8 =	sld [smem:$0x3FB6]  }
0x2e: {  	s3 =	simm.s32 @!p0 $0x1082;
	s9 =	sld [smem:$0x3FB7]  }
0x2f: {  	lr =	sadd.s32 s0, s3;
	s0 =	sld [smem:$0x3FAE]  }
0x30: {  	s3 =	sld [smem:$0x3FB1]  }
0x31: {  	[smem:$0x3FBA] =	sst s10  }
0x32: {  	s10 =	sld [smem:$0x3FB8];
	_ =	sdelay $0x3  }
0x33: {  	p0 =	seq.s32 s10, $0x1;
	s10 =	sld [smem:$0x3FBA];
	_ =	sdelay $0x3  }
0x34: {  	[smem:$0x3FBA] =	sst s10  }
0x35: {  	s10 =	sld [smem:$0x3FB9];
	_ =	sdelay $0x3  }
0x36: {  	p1 =	seq.s32 s10, $0x1;
	s10 =	sld [smem:$0x3FBA];
	_ =	sdelay $0x3  }
0x37: {  	[smem:$0x3FBA] =	sst s10  }
0x38: {  	s10 =	sld [smem:$0x3FBB]  }
0x39: {  	_ = 	snop;
	(pc) =	sbr.ind lr, $3  }
0x3a: {  	_ = 	snop  }
0x3b: {  	_ = 	snop  }
0x3c: {  	p2 =	seq.s32 s10, $0x1;
	s10 =	sld [smem:$0x3FBA]  }
0x3d: {  	_ =	shalt  }
0x3e: {  	_ =	shalt  }
0x3f: {  	_ =	shalt  }
0x40: {  	_ =	shalt  }
0x41: {  	_ =	shalt  }
0x42: {  	_ =	shalt  }
0x43: {  	_ =	shalt  }
0x44: {  	_ =	shalt  }
0x45: {  	_ =	shalt  }
0x46: {  	_ =	shalt  }
0x47: {  	_ =	shalt  }
0x48: {  	_ =	shalt  }
0x49: {  	_ =	shalt  }
0x4a: {  	_ =	shalt  }
0x4b: {  	_ =	shalt  }
0x4c: {  	_ =	shalt  }
0x4d: {  	_ =	shalt  }
0x4e: {  	_ =	shalt  }
0x4f: {  	_ =	shalt  }
0x50: {  	_ =	shalt  }
0x51: {  	_ =	shalt  }
0x52: {  	_ =	shalt  }
0x53: {  	_ =	shalt  }
0x54: {  	_ =	shalt  }
0x55: {  	_ =	shalt  }
0x56: {  	_ =	shalt  }
0x57: {  	_ =	shalt  }
0x58: {  	_ =	shalt  }
0x59: {  	_ =	shalt  }
0x5a: {  	_ =	shalt  }
0x5b: {  	_ =	shalt  }
0x5c: {  	_ =	shalt  }
0x5d: {  	_ =	shalt  }
0x5e: {  	_ =	shalt  }
0x5f: {  	_ =	shalt  }
0x60: {  	_ =	shalt  }
0x61: {  	_ =	shalt  }
0x62: {  	_ =	shalt  }
0x63: {  	_ =	shalt  }
0x64: {  	_ =	shalt  }
0x65: {  	_ =	shalt  }
0x66: {  	_ =	shalt  }
0x67: {  	_ =	shalt  }
0x68: {  	_ =	shalt  }
0x69: {  	_ =	shalt  }
0x6a: {  	_ =	shalt  }
0x6b: {  	_ =	shalt  }
0x6c: {  	_ =	shalt  }
0x6d: {  	_ =	shalt  }
0x6e: {  	_ =	shalt  }
0x6f: {  	_ =	shalt  }
0x70: {  	_ =	shalt  }
0x71: {  	_ =	shalt  }
0x72: {  	_ =	shalt  }
0x73: {  	_ =	shalt  }
0x74: {  	_ =	shalt  }
0x75: {  	_ =	shalt  }
0x76: {  	_ =	shalt  }
0x77: {  	_ =	shalt  }
0x78: {  	_ =	shalt  }
0x79: {  	_ =	shalt  }
0x7a: {  	_ =	shalt  }
0x7b: {  	_ =	shalt  }
0x7c: {  	_ =	shalt  }
0x7d: {  	_ =	shalt  }
0x7e: {  	_ =	shalt  }
0x7f: {  	_ =	shalt  }
0x80: {  	_ =	shalt  }
0x81: {  	_ =	shalt  }
0x82: {  	_ =	shalt  }
0x83: {  	_ =	shalt  }
0x84: {  	_ =	shalt  }
0x85: {  	_ =	shalt  }
0x86: {  	_ =	shalt  }
0x87: {  	_ =	shalt  }
.Lfunc_end0:
.L_simem_size_0:
called_computation_lowered:
.L_overlay_start_0:
0x88: {  	s2 =	sld [smem:$0x3FD9]  }
0x89: {  	s3 =	sld [smem:$0x3FFE];
	_ =	sdelay $0x1  }
0x8a: {  	s1 =	srdreg.scid  }
0x8b: {  	s0 =	sand.u32 $0x1, s1  }
0x8c: {  	s18 =	sshll.u32 s0, $0xA;
	s2 =	sadd.s32 s3, s2  }
0x8d: {  	s2 =	sadd.s32 s2, s18  }
0x8e: {  	[smem:$0x3FC6] =	sst s2  }
0x8f: {  	_ = 	snop  }
0x90: {  	s2 =	sld [smem:$0x3FC9]  }
0x91: {  	s19 =	sld [smem:$0x3FC8]  }
0x92: {  	s4 =	sld [smem:$0x3FD0];
	(tm) =	ssettm $0x1  }
0x93: {  	s5 =	sld [smem:$0x3FFB];
	_ =	sdelay $0x3  }
0x94: {  	_ =	strace s5  }
0x95: {  	s5 =	sld [smem:$0x3FFC];
	_ =	sdelay $0x3  }
0x96: {  	_ =	strace s5  }
0x97: {  	s5 =	sld [smem:$0x3FFD];
	_ =	sdelay $0x3  }
0x98: {  	_ =	strace s5  }
0x99: {  	_ =	strace $0x8FFFFFFF  }
0x9a: {  	s20 =	sld [smem:$0x3FDB];
	_ =	sdelay $0x1  }
0x9b: {  	s6 =	simm.s32 $_scs_section_size  }
0x9c: {  	s7 =	simm.s32 $_size__tile_overlayer_lowered;
	s8 =	simm.s32 $_tile_overlayer_lowered  }
0x9d: {  	s23 =	simm.s32 $0x1BFF;
	s22 =	sshll.u32 s8, $0x1;
	s5 =	sadd.s32 s6, s20  }
0x9e: {  	s9 =	simm.s32 $0x0;
	s21 =	sshll.u32 s7, $0x1;
	s7 =	sadd.s32 s22, s5  }
0x9f: {  	[timem:s9], [sflag:s23] =	dma.local [hbm:s7], s21  }
0xa0: {  	_ =	swait.ge [sflag:s23], s21  }
0xa1: {  	s6 =	ssub.s32 $0x0, s21;
	[sflag:s23] =	ssyncset.done $0x0  }
0xa2: {  	[sflag:s23] =	ssyncadd.s32 s6;
	_ =	sdelay $0x1  }
0xa3: {  	s24 =	simm.s32 $0x1B8B  }
0xa4: {  	_ =	swait.ge [sflag:s24], $0x1  }
0xa5: {  	[sflag:s24] =	ssyncset.done $0x0  }
0xa6: {  	s25 =	simm.s32 $0x1B8E;
	[sflag:s24] =	ssyncadd.s32 $0xFFFFFFFF  }
0xa7: {  	s26 =	simm.s32 $execute0_lowered;
	[smem:$0x3FD2] =	sst s25  }
0xa8: {  	s6 =	sshll.u32 s26, $0x1;
	_ =	strace $0x80000046;
	[dreg:$0x1] =	wrdreg $0xFFFFFFFF  }
0xa9: {  	s28 =	simm.s32 $_size_execute0_lowered;
	s5 =	sadd.s32 s5, s6;
	[dreg:$0x0] =	wrdreg $0x0  }
0xaa: {  	s6 =	sshll.u32 s28, $0x1;
	[dreg:$0x2] =	wrdreg s5  }
0xab: {  	[dreg:$0x3] =	wrdreg s6  }
0xac: {  	[dreg:$0x4] =	wrdreg $0xC0  }
0xad: {  	_ =	task [dreg:s9], $0x5FFFF  }
0xae: {  	[dreg:$0x1] =	wrdreg $0xFFFFFFFF  }
0xaf: {  	[dreg:$0x0] =	wrdreg $0x60  }
0xb0: {  	[dreg:$0x2] =	wrdreg s19  }
0xb1: {  	[dreg:$0x3] =	wrdreg s2  }
0xb2: {  	[dreg:$0x4] =	wrdreg s4  }
0xb3: {  	[dreg:$0x5] =	wrdreg $0x9  }
0xb4: {  	_ =	task.clear_ibuf [dreg:s9], $0x6FFFF;
	_ =	strace $0x90000046  }
0xb5: {  	s29 =	simm.s32 $0x9;
	_ =	strace $0x80000048  }
0xb6: {  	_ =	swait.ge [sflag:s29], $0x1  }
0xb7: {  	[sflag:s29] =	ssyncadd.s32 $0xFFFFFFFF  }
0xb8: {  	_ =	strace $0x90000048  }
0xb9: {  	_ =	sfence  }
0xba: {  	s30 =	sld [smem:$0x0];
	_ =	sdelay $0x2  }
0xbb: {  	s31 =	sshll.u32 s1, $0xD;
	s1 =	sshrl.u32 s1, $0x2  }
0xbc: {  	s3 =	sand.u32 $0x4000, s31;
	s1 =	sadd.s32 s1, s30  }
0xbd: {  	s0 =	sor.u32 s3, s0;
	s1 =	sshll.u32 s1, $0x11  }
0xbe: {  	s0 =	sor.u32 s1, s0  }
0xbf: {  	s0 =	sadd.s32 $0x8F2B, s0  }
0xc0: {  	[sflag:s0] =	ssyncadd.remote.s32 $0x1  }
0xc1: {  	_ =	sfence.sel $0xFFFF  }
0xc2: {  	[dreg:$0x0] =	wrdreg $0xFFFFFFFF;
	(pc) =	sbr.abs _section_cstart, $3  }
0xc3: {  	[dreg:$0x1] =	wrdreg $0xFFFFFFFF  }
0xc4: {  	_ =	task.clear_ibuf [dreg:s9], $0x2FFFF;
	_ =	strace $0x9FFFFFFF  }
0xc5: {  	(tm) =	ssettm $0x7FFFFFFF  }
tec
execute0_lowered:
.L_overlay_start_1:
0x0: {  	(tag) =	ssettag $0x1  }
0x1: {  	s0 =	srdreg.scid  }
0x2: {  	s23 =	stileid.u32;
	s2 =	rddreg [dreg:$0x0]  }
0x3: {  	s4 =	rddreg [dreg:$0x1];
	s13 =	simm.s32 $0x400;
	s14 =	simm.s32 $0x18700  }
0x4: {  	s15 =	simm.s32 $0xC300;
	s16 =	simm.s32 $0x1;
	s17 =	simm.s32 $0x19700  }
0x5: {  	s18 =	simm.s32 $0x3;
	s19 =	simm.s32 $0x4;
	s20 =	simm.s32 $0x2  }
0x6: {  	s21 =	simm.s32 $0x1A700;
	s0 =	sand.u32 $0x1, s0;
	s1 =	sshll.u32 s23, $0x1  }
0x7: {  	s22 =	simm.s32 $0x5;
	s12 =	sshll.u32 s23, $0xC;
	s3 =	sor.u32 s0, s1  }
0x8: {  	p0 =	sgt.u32 s23, $0xC;
	s0 =	ssub.s32 $0x2, s0;
	s1 =	smul.u32 $0xD, s3  }
0x9: {  	s23 =	simm.s32 $0x0;
	s9 =	smul.u32 $0x280, s3;
	s29 =	sshrl.u32 s0, $0x1  }
0xa: {  	s10 =	sadd.s32 $0x1A, s3;
	s3 =	sshll.u32 s3, $0x4;
	s0 =	ssub.s32 s0, s29  }
0xb: {  	s11 =	sshll.u32 s10, $0x4;
	s10 =	sshll.u32 s10, $0xB;
	s3 =	sor.u32 s3, s12  }
0xc: {  	s12 =	simm.s32 $0x80;
	s5 =	sshrl.u32 s1, $0x4;
	s6 =	sshll.u32 s1, $0x1C  }
0xd: {  	s28 =	sand.u32 $0x380, s9;
	s30 =	sshll.u32 s1, $0x7;
	s31 =	sand.u32 $0x70, s1  }
0xe: {  	s11 =	sand.u32 $0x70, s11;
	s10 =	sand.u32 $0x1C000, s10;
	s3 =	sand.u32 $0xC070, s3  }
0xf: {  	s7 =	smul.u32 $0x187000, s5;
	s5 =	rddreg [dreg:$0x2];
	s8 =	sshra.s32 s6, $0x1F  }
0x10: {  	s6 =	simm.s32 $0x0;
	s9 =	sadd.s32 s4, s31;
	s11 =	sadd.s32 s4, s11  }
.Ltmp0:
0x11: {  	s8 =	sand.u32 $0xC3800, s8;
	[smem:$0x7FF] =	sst s6;
	(pc) =	sbr.rel .LBB2_1-.Ltmp0, $4  }
0x12: {  	v0 =	vlaneseq.u32;
	v8 =	vimm.s32 $0x0;
	s3 =	sadd.s32 s3, s5;
	s7 =	sadd.s32 s7, s8;
	_ =	strace $0x80000047  }
0x13: {  	vm0 =	vcmask $0x300;
	v1 =	vor.u32 $0x10, v0;
	v2 =	vor.u32 $0x20, v0;
	s8 =	sand.u32 $0xC000, s30;
	s3 =	sadd.s32 $0xD0000, s3;
	s7 =	sor.u32 s28, s7  }
0x14: {  	v3 =	vor.u32 $0x30, v0;
	v4 =	vor.u32 $0x40, v0;
	v5 =	vor.u32 $0x50, v0;
	s8 =	sadd.s32 s8, s9;
	s9 =	sadd.s32 s10, s11;
	s7 =	sshrl.u32 s7, $0x3  }
0x15: {  	v6 =	vor.u32 $0x60, v0;
	v7 =	vor.u32 $0x70, v0;
	v8 =	vsel vm0, $0x7, v8;
	[dreg:$0x4] =	wrdreg s3;
	s11 =	smax.u32 s0, $0x1;
	s7 =	sadd.s32 s2, s7  }
.LBB2_25:
0x16: {  	s23 =	sadd.s32 $0x1, s23  }
0x17: {  	p1 =	sne.s32 s23, s11  }
.Ltmp1:
0x18: {  	_ = 	snop;
	(pc) =	sbr.rel @!p1 .LBB2_26-.Ltmp1, $1  }
0x19: {  	_ =	sdelay $0x3  }
.LBB2_1:
0x1a: {  	[tilespmem:s6], [sflag:$0x1] =	stream.strided.gather [hbm4b:s7+s12], $0xC300, s13, s12, $0x38;
	[tilespmem:$0x1E700] =	vst v63  }
0x1b: {  	s24 =	simm.s32 $0x0  }
0x1c: {  	[tilespmem:s14], [sflag:$0x3] =	stream.strided.gather [hbm4b:s8+s12], $0x1000, s13, s12, $0x38;
	[tilespmem:$0x1E700] =	vst v63  }
.LBB2_2:
0x1d: {  	s25 =	sadd.s32 s1, s24  }
0x1e: {  	s0 =	sshrl.u32 s25, $0x4;
	s3 =	sshll.u32 s25, $0x1C  }
0x1f: {  	s0 =	smul.u32 $0x187000, s0;
	s3 =	sshra.s32 s3, $0x1F  }
0x20: {  	s26 =	sshll.u32 s25, $0x7;
	s3 =	sand.u32 $0xC3800, s3  }
0x21: {  	s31 =	sand.u32 $0x380, s26;
	s0 =	sadd.s32 s0, s3  }
0x22: {  	s0 =	sor.u32 s31, s0  }
0x23: {  	s0 =	sshrl.u32 s0, $0x3  }
0x24: {  	s0 =	sadd.s32 s2, s0  }
0x25: {  	s10 =	sand.u32 $0x70, s25;
	s0 =	sadd.s32 $0xC300, s0  }
0x26: {  	[tilespmem:s15], [sflag:$0x2] =	stream.strided.gather [hbm4b:s0+s12], $0xC400, s13, s12, $0x38;
	[tilespmem:$0x1E700] =	vst v63  }
0x27: {  	s31 =	sand.u32 $0xFFFC000, s26;
	s0 =	sadd.s32 s4, s10;
	_ =	swait.ge [sflag:s16], $0xC300  }
0x28: {  	s30 =	sadd.s32 s31, s0;
	[sflag:s16] =	ssyncset.done $0x0  }
0x29: {  	s26 =	sadd.s32 $0x1000, s30;
	[sflag:s16] =	ssyncadd.s32 $0xFFFF3D00  }
0x2a: {  	[tilespmem:s17], [sflag:$0x4] =	stream.strided.gather [hbm4b:s26+s12], $0x1000, s13, s12, $0x38;
	[tilespmem:$0x1E700] =	vst v63  }
0x2b: {  	_ =	swait.ge [sflag:s18], $0x1000  }
0x2c: {  	[sflag:s18] =	ssyncset.done $0x0  }
0x2d: {  	s10 =	simm.s32 $0x18740;
	[sflag:s18] =	ssyncadd.s32 $0xFFFFF000  }
0x2e: {  	v9 =	vld [tilespmem:s10+$0x30]  }
0x2f: {  	v10 =	vld [tilespmem:s10+$0xFFFFFFD0]  }
0x30: {  	v11 =	vld [tilespmem:s10+$0xFFFFFFE0]  }
0x31: {  	v12 =	vld [tilespmem:s10+$0xFFFFFFF0]  }
0x32: {  	v13 =	vld [tilespmem:s10+$0x0]  }
0x33: {  	v14 =	vld [tilespmem:s10+$0x10]  }
0x34: {  	v15 =	vld [tilespmem:s10+$0x20]  }
0x35: {  	s31 =	simm.s32 $0x187C0;
	v16 =	vld [tilespmem:s10+$0xFFFFFFC0];
	vm0 =	vlt.s32 v9, $0xC300  }
0x36: {  	v21 =	vld [tilespmem:s31+$0x30];
	vm1 =	vlt.s32 v10, $0xC300  }
0x37: {  	v22 =	vld [tilespmem:s31+$0xFFFFFFD0];
	vm2 =	vlt.s32 v11, $0xC300  }
0x38: {  	v23 =	vld [tilespmem:s31+$0xFFFFFFE0];
	vm3 =	vlt.s32 v12, $0xC300  }
0x39: {  	v24 =	vld [tilespmem:s31+$0xFFFFFFF0];
	vm4 =	vlt.s32 v13, $0xC300  }
0x3a: {  	v25 =	vld [tilespmem:s31+$0x0]  }
0x3b: {  	v17 =	vld.idx.msk [tilespmem:v9+s6+$0x0], vm0  }
0x3c: {  	v18 =	vld.idx.msk [tilespmem:v10+s6+$0x0], vm1  }
0x3d: {  	v19 =	vld.idx.msk [tilespmem:v11+s6+$0x0], vm2;
	vm0 =	vlt.s32 v16, $0xC300  }
0x3e: {  	v20 =	vld.idx.msk [tilespmem:v12+s6+$0x0], vm3;
	vm1 =	vlt.s32 v14, $0xC300  }
0x3f: {  	vm5 =	vlt.s32 v25, $0xC300;
	v13 =	vld.idx.msk [tilespmem:v13+s6+$0x0], vm4  }
0x40: {  	vm2 =	vlt.s32 v15, $0xC300;
	v9 =	vld [tilespmem:s31+$0x10]  }
0x41: {  	vm3 =	vlt.s32 v21, $0xC300;
	v10 =	vld [tilespmem:s31+$0x20]  }
0x42: {  	vm15 =	vlt.s32 v22, $0xC300;
	v11 =	vld [tilespmem:s31+$0xFFFFFFC0]  }
0x43: {  	s3 =	simm.s32 $0x1A740;
	v26 =	vld.idx.msk [tilespmem:v16+s6+$0x0], vm0;
	vm0 =	vlt.s32 v23, $0xC300  }
0x44: {  	[tilespmem:s3+$0x30] =	vst v17;
	v27 =	vld.idx.msk [tilespmem:v14+s6+$0x0], vm1;
	vm1 =	vlt.s32 v24, $0xC300  }
0x45: {  	[tilespmem:s3+$0xFFFFFFD0] =	vst v18;
	v17 =	vld.idx.msk [tilespmem:v25+s6+$0x0], vm5  }
0x46: {  	[tilespmem:s3+$0xFFFFFFE0] =	vst v19;
	v12 =	vld.idx.msk [tilespmem:v15+s6+$0x0], vm2  }
0x47: {  	[tilespmem:s3+$0xFFFFFFF0] =	vst v20;
	v14 =	vld.idx.msk [tilespmem:v21+s6+$0x0], vm3  }
0x48: {  	[tilespmem:s3+$0x0] =	vst v13;
	v15 =	vld.idx.msk [tilespmem:v22+s6+$0x0], vm15  }
0x49: {  	[tilespmem:s3+$0xFFFFFFC0] =	vst v26;
	v16 =	vld.idx.msk [tilespmem:v23+s6+$0x0], vm0  }
0x4a: {  	s28 =	simm.s32 $0x8;
	s29 =	simm.s32 $0x18840;
	vm2 =	vlt.s32 v11, $0xC300;
	[tilespmem:s3+$0x10] =	vst v27;
	v13 =	vld.idx.msk [tilespmem:v24+s6+$0x0], vm1;
	vm0 =	vlt.s32 v9, $0xC300;
	vm1 =	vlt.s32 v10, $0xC300  }
.LBB2_3:
0x4b: {  	v18 =	vld [tilespmem:s29+$0x30];
	s28 =	sadd.s32 $0x8, s28;
	[tilespmem:s3+$0x20] =	vst v12;
	s3 =	sadd.s32 $0x80, s3  }
0x4c: {  	v19 =	vld [tilespmem:s29+$0xFFFFFFD0];
	p1 =	slt.u32 s28, $0xF8;
	[tilespmem:s3+$0x30] =	vst v14  }
0x4d: {  	v20 =	vld [tilespmem:s29+$0xFFFFFFE0];
	[tilespmem:s3+$0xFFFFFFD0] =	vst v15  }
0x4e: {  	v21 =	vld [tilespmem:s29+$0xFFFFFFF0];
	[tilespmem:s3+$0xFFFFFFE0] =	vst v16  }
0x4f: {  	v22 =	vld [tilespmem:s29+$0x0];
	[tilespmem:s3+$0xFFFFFFF0] =	vst v13  }
0x50: {  	v13 =	vld [tilespmem:s29+$0x10];
	vm3 =	vlt.s32 v18, $0xC300;
	[tilespmem:s3+$0x0] =	vst v17  }
0x51: {  	vm4 =	vlt.s32 v19, $0xC300;
	v15 =	vld [tilespmem:s29+$0x20]  }
0x52: {  	v16 =	vld [tilespmem:s29+$0xFFFFFFC0];
	vm5 =	vlt.s32 v20, $0xC300  }
0x53: {  	vm6 =	vlt.s32 v21, $0xC300;
	v17 =	vld.idx.msk [tilespmem:v11+s6+$0x0], vm2  }
0x54: {  	vm7 =	vlt.s32 v22, $0xC300;
	v23 =	vld.idx.msk [tilespmem:v9+s6+$0x0], vm0  }
0x55: {  	vm0 =	vlt.s32 v13, $0xC300;
	v12 =	vld.idx.msk [tilespmem:v10+s6+$0x0], vm1;
	v9 =	vmov v13  }
.Ltmp2:
0x56: {  	vm1 =	vlt.s32 v15, $0xC300;
	v14 =	vld.idx.msk [tilespmem:v18+s6+$0x0], vm3;
	v10 =	vmov v15;
	(pc) =	sbr.rel @p1 .LBB2_3-.Ltmp2, $4  }
0x57: {  	vm2 =	vlt.s32 v16, $0xC300;
	v15 =	vld.idx.msk [tilespmem:v19+s6+$0x0], vm4;
	v11 =	vmov v16  }
0x58: {  	v16 =	vld.idx.msk [tilespmem:v20+s6+$0x0], vm5  }
0x59: {  	v13 =	vld.idx.msk [tilespmem:v21+s6+$0x0], vm6;
	[tilespmem:s3+$0xFFFFFFC0] =	vst v17  }
0x5a: {  	s29 =	sadd.s32 $0x80, s29;
	v17 =	vld.idx.msk [tilespmem:v22+s6+$0x0], vm7;
	[tilespmem:s3+$0x10] =	vst v23  }
0x5b: {  	_ =	sdelay $0x3  }
0x5c: {  	[tilespmem:s3+$0x20] =	vst v12;
	s0 =	sadd.s32 $0x80, s3  }
0x5d: {  	v11 =	vld.idx.msk [tilespmem:v11+s6+$0x0], vm2;
	[tilespmem:s0+$0x30] =	vst v14  }
0x5e: {  	v9 =	vld.idx.msk [tilespmem:v9+s6+$0x0], vm0;
	[tilespmem:s0+$0xFFFFFFD0] =	vst v15  }
0x5f: {  	v10 =	vld.idx.msk [tilespmem:v10+s6+$0x0], vm1;
	[tilespmem:s0+$0xFFFFFFE0] =	vst v16  }
0x60: {  	[tilespmem:s0+$0xFFFFFFF0] =	vst v13  }
0x61: {  	[tilespmem:s0+$0x0] =	vst v17  }
0x62: {  	[tilespmem:s0+$0xFFFFFFC0] =	vst v11  }
0x63: {  	[tilespmem:s0+$0x10] =	vst v9  }
0x64: {  	s29 =	sadd.s32 $0x2000, s30;
	[tilespmem:s0+$0x20] =	vst v10  }
0x65: {  	[tilespmem:s14], [sflag:$0x3] =	stream.strided.gather [hbm4b:s29+s12], $0x1000, s13, s12, $0x38;
	[tilespmem:$0x1E700] =	vst v63  }
0x66: {  	_ =	swait.ge [sflag:s19], $0x1000  }
0x67: {  	[sflag:s19] =	ssyncset.done $0x0  }
0x68: {  	s3 =	simm.s32 $0x19740;
	[sflag:s19] =	ssyncadd.s32 $0xFFFFF000  }
0x69: {  	v9 =	vld [tilespmem:s3+$0x30]  }
0x6a: {  	v10 =	vld [tilespmem:s3+$0xFFFFFFD0]  }
0x6b: {  	v11 =	vld [tilespmem:s3+$0xFFFFFFE0]  }
0x6c: {  	v12 =	vld [tilespmem:s3+$0xFFFFFFF0]  }
0x6d: {  	v13 =	vld [tilespmem:s3+$0x0]  }
0x6e: {  	v14 =	vld [tilespmem:s3+$0x10]  }
0x6f: {  	v15 =	vld [tilespmem:s3+$0x20]  }
0x70: {  	s10 =	simm.s32 $0x197C0;
	v16 =	vld [tilespmem:s3+$0xFFFFFFC0];
	vm0 =	vlt.s32 v9, $0xC300  }
0x71: {  	v21 =	vld [tilespmem:s10+$0x30];
	vm1 =	vlt.s32 v10, $0xC300  }
0x72: {  	v22 =	vld [tilespmem:s10+$0xFFFFFFD0];
	vm2 =	vlt.s32 v11, $0xC300  }
0x73: {  	v23 =	vld [tilespmem:s10+$0xFFFFFFE0];
	vm3 =	vlt.s32 v12, $0xC300  }
0x74: {  	v24 =	vld [tilespmem:s10+$0xFFFFFFF0];
	vm4 =	vlt.s32 v13, $0xC300  }
0x75: {  	v25 =	vld [tilespmem:s10+$0x0]  }
0x76: {  	v17 =	vld.idx.msk [tilespmem:v9+s6+$0x0], vm0  }
0x77: {  	v18 =	vld.idx.msk [tilespmem:v10+s6+$0x0], vm1  }
0x78: {  	v19 =	vld.idx.msk [tilespmem:v11+s6+$0x0], vm2;
	vm0 =	vlt.s32 v16, $0xC300  }
0x79: {  	v20 =	vld.idx.msk [tilespmem:v12+s6+$0x0], vm3;
	vm1 =	vlt.s32 v14, $0xC300  }
0x7a: {  	vm5 =	vlt.s32 v25, $0xC300;
	v13 =	vld.idx.msk [tilespmem:v13+s6+$0x0], vm4  }
0x7b: {  	vm2 =	vlt.s32 v15, $0xC300;
	v9 =	vld [tilespmem:s10+$0x10]  }
0x7c: {  	vm3 =	vlt.s32 v21, $0xC300;
	v10 =	vld [tilespmem:s10+$0x20]  }
0x7d: {  	vm15 =	vlt.s32 v22, $0xC300;
	v11 =	vld [tilespmem:s10+$0xFFFFFFC0]  }
0x7e: {  	s3 =	simm.s32 $0x1B770;
	v26 =	vld.idx.msk [tilespmem:v16+s6+$0x0], vm0;
	vm0 =	vlt.s32 v23, $0xC300  }
0x7f: {  	[tilespmem:s3+$0x0] =	vst v17;
	v27 =	vld.idx.msk [tilespmem:v14+s6+$0x0], vm1;
	vm1 =	vlt.s32 v24, $0xC300  }
0x80: {  	[tilespmem:s3+$0xFFFFFFA0] =	vst v18;
	v17 =	vld.idx.msk [tilespmem:v25+s6+$0x0], vm5  }
0x81: {  	[tilespmem:s3+$0xFFFFFFB0] =	vst v19;
	v12 =	vld.idx.msk [tilespmem:v15+s6+$0x0], vm2  }
0x82: {  	[tilespmem:s3+$0xFFFFFFC0] =	vst v20;
	v14 =	vld.idx.msk [tilespmem:v21+s6+$0x0], vm3  }
0x83: {  	[tilespmem:s3+$0xFFFFFFD0] =	vst v13;
	v15 =	vld.idx.msk [tilespmem:v22+s6+$0x0], vm15  }
0x84: {  	[tilespmem:s3+$0xFFFFFF90] =	vst v26;
	v16 =	vld.idx.msk [tilespmem:v23+s6+$0x0], vm0  }
0x85: {  	s28 =	simm.s32 $0x8;
	s31 =	simm.s32 $0x19840;
	vm2 =	vlt.s32 v11, $0xC300;
	[tilespmem:s3+$0xFFFFFFE0] =	vst v27;
	v13 =	vld.idx.msk [tilespmem:v24+s6+$0x0], vm1;
	vm0 =	vlt.s32 v9, $0xC300;
	vm1 =	vlt.s32 v10, $0xC300  }
.LBB2_5:
0x86: {  	v18 =	vld [tilespmem:s31+$0x30];
	s28 =	sadd.s32 $0x8, s28;
	[tilespmem:s3+$0xFFFFFFF0] =	vst v12;
	s3 =	sadd.s32 $0x80, s3  }
0x87: {  	v19 =	vld [tilespmem:s31+$0xFFFFFFD0];
	p1 =	slt.u32 s28, $0xF8;
	[tilespmem:s3+$0x0] =	vst v14  }
0x88: {  	v20 =	vld [tilespmem:s31+$0xFFFFFFE0];
	[tilespmem:s3+$0xFFFFFFA0] =	vst v15  }
0x89: {  	v21 =	vld [tilespmem:s31+$0xFFFFFFF0];
	[tilespmem:s3+$0xFFFFFFB0] =	vst v16  }
0x8a: {  	v22 =	vld [tilespmem:s31+$0x0];
	[tilespmem:s3+$0xFFFFFFC0] =	vst v13  }
0x8b: {  	v13 =	vld [tilespmem:s31+$0x10];
	vm3 =	vlt.s32 v18, $0xC300;
	[tilespmem:s3+$0xFFFFFFD0] =	vst v17  }
0x8c: {  	vm4 =	vlt.s32 v19, $0xC300;
	v15 =	vld [tilespmem:s31+$0x20]  }
0x8d: {  	v16 =	vld [tilespmem:s31+$0xFFFFFFC0];
	vm5 =	vlt.s32 v20, $0xC300  }
0x8e: {  	vm6 =	vlt.s32 v21, $0xC300;
	v17 =	vld.idx.msk [tilespmem:v11+s6+$0x0], vm2  }
0x8f: {  	vm7 =	vlt.s32 v22, $0xC300;
	v23 =	vld.idx.msk [tilespmem:v9+s6+$0x0], vm0  }
0x90: {  	vm0 =	vlt.s32 v13, $0xC300;
	v12 =	vld.idx.msk [tilespmem:v10+s6+$0x0], vm1;
	v9 =	vmov v13  }
.Ltmp3:
0x91: {  	vm1 =	vlt.s32 v15, $0xC300;
	v14 =	vld.idx.msk [tilespmem:v18+s6+$0x0], vm3;
	v10 =	vmov v15;
	(pc) =	sbr.rel @p1 .LBB2_5-.Ltmp3, $4  }
0x92: {  	vm2 =	vlt.s32 v16, $0xC300;
	v15 =	vld.idx.msk [tilespmem:v19+s6+$0x0], vm4;
	v11 =	vmov v16  }
0x93: {  	v16 =	vld.idx.msk [tilespmem:v20+s6+$0x0], vm5  }
0x94: {  	v13 =	vld.idx.msk [tilespmem:v21+s6+$0x0], vm6;
	[tilespmem:s3+$0xFFFFFF90] =	vst v17  }
0x95: {  	s31 =	sadd.s32 $0x80, s31;
	v17 =	vld.idx.msk [tilespmem:v22+s6+$0x0], vm7;
	[tilespmem:s3+$0xFFFFFFE0] =	vst v23  }
0x96: {  	_ =	sdelay $0x3  }
0x97: {  	[tilespmem:s3+$0xFFFFFFF0] =	vst v12;
	s0 =	sadd.s32 $0x80, s3  }
0x98: {  	v11 =	vld.idx.msk [tilespmem:v11+s6+$0x0], vm2;
	[tilespmem:s0+$0x0] =	vst v14  }
0x99: {  	v9 =	vld.idx.msk [tilespmem:v9+s6+$0x0], vm0;
	[tilespmem:s0+$0xFFFFFFA0] =	vst v15  }
0x9a: {  	v10 =	vld.idx.msk [tilespmem:v10+s6+$0x0], vm1;
	[tilespmem:s0+$0xFFFFFFB0] =	vst v16  }
0x9b: {  	[tilespmem:s0+$0xFFFFFFC0] =	vst v13  }
0x9c: {  	[tilespmem:s0+$0xFFFFFFD0] =	vst v17  }
0x9d: {  	[tilespmem:s0+$0xFFFFFF90] =	vst v11  }
0x9e: {  	[tilespmem:s0+$0xFFFFFFE0] =	vst v9  }
0x9f: {  	s28 =	sadd.s32 $0x3000, s30;
	[tilespmem:s0+$0xFFFFFFF0] =	vst v10  }
0xa0: {  	[tilespmem:s17], [sflag:$0x4] =	stream.strided.gather [hbm4b:s28+s12], $0x1000, s13, s12, $0x38;
	[tilespmem:$0x1E700] =	vst v63  }
0xa1: {  	_ =	swait.ge [sflag:s18], $0x1000  }
0xa2: {  	[sflag:s18] =	ssyncset.done $0x0  }
0xa3: {  	s3 =	simm.s32 $0x18740;
	[sflag:s18] =	ssyncadd.s32 $0xFFFFF000  }
0xa4: {  	v9 =	vld [tilespmem:s3+$0x30]  }
0xa5: {  	v10 =	vld [tilespmem:s3+$0xFFFFFFD0]  }
0xa6: {  	v11 =	vld [tilespmem:s3+$0xFFFFFFE0]  }
0xa7: {  	v12 =	vld [tilespmem:s3+$0xFFFFFFF0]  }
0xa8: {  	v13 =	vld [tilespmem:s3+$0x0]  }
0xa9: {  	v14 =	vld [tilespmem:s3+$0x10]  }
0xaa: {  	v15 =	vld [tilespmem:s3+$0x20]  }
0xab: {  	s10 =	simm.s32 $0x187C0;
	v16 =	vld [tilespmem:s3+$0xFFFFFFC0];
	vm0 =	vlt.s32 v9, $0xC300  }
0xac: {  	v21 =	vld [tilespmem:s10+$0x30];
	vm1 =	vlt.s32 v10, $0xC300  }
0xad: {  	v22 =	vld [tilespmem:s10+$0xFFFFFFD0];
	vm2 =	vlt.s32 v11, $0xC300  }
0xae: {  	v23 =	vld [tilespmem:s10+$0xFFFFFFE0];
	vm3 =	vlt.s32 v12, $0xC300  }
0xaf: {  	v24 =	vld [tilespmem:s10+$0xFFFFFFF0];
	vm4 =	vlt.s32 v13, $0xC300  }
0xb0: {  	v25 =	vld [tilespmem:s10+$0x0]  }
0xb1: {  	v17 =	vld.idx.msk [tilespmem:v9+s6+$0x0], vm0  }
0xb2: {  	v18 =	vld.idx.msk [tilespmem:v10+s6+$0x0], vm1  }
0xb3: {  	v19 =	vld.idx.msk [tilespmem:v11+s6+$0x0], vm2;
	vm0 =	vlt.s32 v16, $0xC300  }
0xb4: {  	v20 =	vld.idx.msk [tilespmem:v12+s6+$0x0], vm3;
	vm1 =	vlt.s32 v14, $0xC300  }
0xb5: {  	vm5 =	vlt.s32 v25, $0xC300;
	v13 =	vld.idx.msk [tilespmem:v13+s6+$0x0], vm4  }
0xb6: {  	vm2 =	vlt.s32 v15, $0xC300;
	v9 =	vld [tilespmem:s10+$0x10]  }
0xb7: {  	vm3 =	vlt.s32 v21, $0xC300;
	v10 =	vld [tilespmem:s10+$0x20]  }
0xb8: {  	vm15 =	vlt.s32 v22, $0xC300;
	v11 =	vld [tilespmem:s10+$0xFFFFFFC0]  }
0xb9: {  	s3 =	simm.s32 $0x1C770;
	v26 =	vld.idx.msk [tilespmem:v16+s6+$0x0], vm0;
	vm0 =	vlt.s32 v23, $0xC300  }
0xba: {  	[tilespmem:s3+$0x0] =	vst v17;
	v27 =	vld.idx.msk [tilespmem:v14+s6+$0x0], vm1;
	vm1 =	vlt.s32 v24, $0xC300  }
0xbb: {  	[tilespmem:s3+$0xFFFFFFA0] =	vst v18;
	v17 =	vld.idx.msk [tilespmem:v25+s6+$0x0], vm5  }
0xbc: {  	[tilespmem:s3+$0xFFFFFFB0] =	vst v19;
	v12 =	vld.idx.msk [tilespmem:v15+s6+$0x0], vm2  }
0xbd: {  	[tilespmem:s3+$0xFFFFFFC0] =	vst v20;
	v14 =	vld.idx.msk [tilespmem:v21+s6+$0x0], vm3  }
0xbe: {  	[tilespmem:s3+$0xFFFFFFD0] =	vst v13;
	v15 =	vld.idx.msk [tilespmem:v22+s6+$0x0], vm15  }
0xbf: {  	[tilespmem:s3+$0xFFFFFF90] =	vst v26;
	v16 =	vld.idx.msk [tilespmem:v23+s6+$0x0], vm0  }
0xc0: {  	s31 =	simm.s32 $0x8;
	s0 =	simm.s32 $0x18840;
	vm2 =	vlt.s32 v11, $0xC300;
	[tilespmem:s3+$0xFFFFFFE0] =	vst v27;
	v13 =	vld.idx.msk [tilespmem:v24+s6+$0x0], vm1;
	vm0 =	vlt.s32 v9, $0xC300;
	vm1 =	vlt.s32 v10, $0xC300  }
.LBB2_7:
0xc1: {  	v18 =	vld [tilespmem:s0+$0x30];
	s31 =	sadd.s32 $0x8, s31;
	[tilespmem:s3+$0xFFFFFFF0] =	vst v12;
	s3 =	sadd.s32 $0x80, s3  }
0xc2: {  	v19 =	vld [tilespmem:s0+$0xFFFFFFD0];
	p1 =	slt.u32 s31, $0xF8;
	[tilespmem:s3+$0x0] =	vst v14  }
0xc3: {  	v20 =	vld [tilespmem:s0+$0xFFFFFFE0];
	[tilespmem:s3+$0xFFFFFFA0] =	vst v15  }
0xc4: {  	v21 =	vld [tilespmem:s0+$0xFFFFFFF0];
	[tilespmem:s3+$0xFFFFFFB0] =	vst v16  }
0xc5: {  	v22 =	vld [tilespmem:s0+$0x0];
	[tilespmem:s3+$0xFFFFFFC0] =	vst v13  }
0xc6: {  	v13 =	vld [tilespmem:s0+$0x10];
	vm3 =	vlt.s32 v18, $0xC300;
	[tilespmem:s3+$0xFFFFFFD0] =	vst v17  }
0xc7: {  	vm4 =	vlt.s32 v19, $0xC300;
	v15 =	vld [tilespmem:s0+$0x20]  }
0xc8: {  	v16 =	vld [tilespmem:s0+$0xFFFFFFC0];
	vm5 =	vlt.s32 v20, $0xC300  }
0xc9: {  	vm6 =	vlt.s32 v21, $0xC300;
	v17 =	vld.idx.msk [tilespmem:v11+s6+$0x0], vm2  }
0xca: {  	vm7 =	vlt.s32 v22, $0xC300;
	v23 =	vld.idx.msk [tilespmem:v9+s6+$0x0], vm0  }
0xcb: {  	vm0 =	vlt.s32 v13, $0xC300;
	v12 =	vld.idx.msk [tilespmem:v10+s6+$0x0], vm1;
	v9 =	vmov v13  }
.Ltmp4:
0xcc: {  	vm1 =	vlt.s32 v15, $0xC300;
	v14 =	vld.idx.msk [tilespmem:v18+s6+$0x0], vm3;
	v10 =	vmov v15;
	(pc) =	sbr.rel @p1 .LBB2_7-.Ltmp4, $4  }
0xcd: {  	vm2 =	vlt.s32 v16, $0xC300;
	v15 =	vld.idx.msk [tilespmem:v19+s6+$0x0], vm4;
	v11 =	vmov v16  }
0xce: {  	v16 =	vld.idx.msk [tilespmem:v20+s6+$0x0], vm5  }
0xcf: {  	v13 =	vld.idx.msk [tilespmem:v21+s6+$0x0], vm6;
	[tilespmem:s3+$0xFFFFFF90] =	vst v17  }
0xd0: {  	s0 =	sadd.s32 $0x80, s0;
	v17 =	vld.idx.msk [tilespmem:v22+s6+$0x0], vm7;
	[tilespmem:s3+$0xFFFFFFE0] =	vst v23  }
0xd1: {  	_ =	sdelay $0x3  }
0xd2: {  	[tilespmem:s3+$0xFFFFFFF0] =	vst v12;
	s0 =	sadd.s32 $0x80, s3  }
0xd3: {  	v11 =	vld.idx.msk [tilespmem:v11+s6+$0x0], vm2;
	[tilespmem:s0+$0x0] =	vst v14  }
0xd4: {  	v9 =	vld.idx.msk [tilespmem:v9+s6+$0x0], vm0;
	[tilespmem:s0+$0xFFFFFFA0] =	vst v15  }
0xd5: {  	v10 =	vld.idx.msk [tilespmem:v10+s6+$0x0], vm1;
	[tilespmem:s0+$0xFFFFFFB0] =	vst v16  }
0xd6: {  	[tilespmem:s0+$0xFFFFFFC0] =	vst v13  }
0xd7: {  	[tilespmem:s0+$0xFFFFFFD0] =	vst v17  }
0xd8: {  	[tilespmem:s0+$0xFFFFFF90] =	vst v11  }
0xd9: {  	[tilespmem:s0+$0xFFFFFFE0] =	vst v9  }
0xda: {  	[tilespmem:s0+$0xFFFFFFF0] =	vst v10  }
0xdb: {  	[tilespmem:s14], [sflag:$0x3] =	stream.strided.gather [hbm4b:s30+s12], $0x1000, s13, s12, $0x38;
	[tilespmem:$0x1E700] =	vst v63  }
0xdc: {  	_ =	swait.ge [sflag:s19], $0x1000  }
0xdd: {  	[sflag:s19] =	ssyncset.done $0x0  }
0xde: {  	s10 =	simm.s32 $0x19740;
	[sflag:s19] =	ssyncadd.s32 $0xFFFFF000  }
0xdf: {  	v9 =	vld [tilespmem:s10+$0x30]  }
0xe0: {  	v10 =	vld [tilespmem:s10+$0xFFFFFFD0]  }
0xe1: {  	v11 =	vld [tilespmem:s10+$0xFFFFFFE0]  }
0xe2: {  	v12 =	vld [tilespmem:s10+$0xFFFFFFF0]  }
0xe3: {  	v13 =	vld [tilespmem:s10+$0x0]  }
0xe4: {  	v14 =	vld [tilespmem:s10+$0x10]  }
0xe5: {  	v15 =	vld [tilespmem:s10+$0x20]  }
0xe6: {  	s31 =	simm.s32 $0x197C0;
	v16 =	vld [tilespmem:s10+$0xFFFFFFC0];
	vm0 =	vlt.s32 v9, $0xC300  }
0xe7: {  	v21 =	vld [tilespmem:s31+$0x30];
	vm1 =	vlt.s32 v10, $0xC300  }
0xe8: {  	v22 =	vld [tilespmem:s31+$0xFFFFFFD0];
	vm2 =	vlt.s32 v11, $0xC300  }
0xe9: {  	v23 =	vld [tilespmem:s31+$0xFFFFFFE0];
	vm3 =	vlt.s32 v12, $0xC300  }
0xea: {  	v24 =	vld [tilespmem:s31+$0xFFFFFFF0];
	vm4 =	vlt.s32 v13, $0xC300  }
0xeb: {  	v25 =	vld [tilespmem:s31+$0x0]  }
0xec: {  	v17 =	vld.idx.msk [tilespmem:v9+s6+$0x0], vm0  }
0xed: {  	v18 =	vld.idx.msk [tilespmem:v10+s6+$0x0], vm1  }
0xee: {  	v19 =	vld.idx.msk [tilespmem:v11+s6+$0x0], vm2;
	vm0 =	vlt.s32 v16, $0xC300  }
0xef: {  	v20 =	vld.idx.msk [tilespmem:v12+s6+$0x0], vm3;
	vm1 =	vlt.s32 v14, $0xC300  }
0xf0: {  	vm5 =	vlt.s32 v25, $0xC300;
	v13 =	vld.idx.msk [tilespmem:v13+s6+$0x0], vm4  }
0xf1: {  	vm2 =	vlt.s32 v15, $0xC300;
	v9 =	vld [tilespmem:s31+$0x10]  }
0xf2: {  	vm3 =	vlt.s32 v21, $0xC300;
	v10 =	vld [tilespmem:s31+$0x20]  }
0xf3: {  	vm15 =	vlt.s32 v22, $0xC300;
	v11 =	vld [tilespmem:s31+$0xFFFFFFC0]  }
0xf4: {  	s3 =	simm.s32 $0x1D770;
	v26 =	vld.idx.msk [tilespmem:v16+s6+$0x0], vm0;
	vm0 =	vlt.s32 v23, $0xC300  }
0xf5: {  	[tilespmem:s3+$0x0] =	vst v17;
	v27 =	vld.idx.msk [tilespmem:v14+s6+$0x0], vm1;
	vm1 =	vlt.s32 v24, $0xC300  }
0xf6: {  	[tilespmem:s3+$0xFFFFFFA0] =	vst v18;
	v17 =	vld.idx.msk [tilespmem:v25+s6+$0x0], vm5  }
0xf7: {  	[tilespmem:s3+$0xFFFFFFB0] =	vst v19;
	v12 =	vld.idx.msk [tilespmem:v15+s6+$0x0], vm2  }
0xf8: {  	[tilespmem:s3+$0xFFFFFFC0] =	vst v20;
	v14 =	vld.idx.msk [tilespmem:v21+s6+$0x0], vm3  }
0xf9: {  	[tilespmem:s3+$0xFFFFFFD0] =	vst v13;
	v15 =	vld.idx.msk [tilespmem:v22+s6+$0x0], vm15  }
0xfa: {  	[tilespmem:s3+$0xFFFFFF90] =	vst v26;
	v16 =	vld.idx.msk [tilespmem:v23+s6+$0x0], vm0  }
0xfb: {  	s0 =	simm.s32 $0x19840;
	s30 =	simm.s32 $0x8;
	vm2 =	vlt.s32 v11, $0xC300;
	[tilespmem:s3+$0xFFFFFFE0] =	vst v27;
	v13 =	vld.idx.msk [tilespmem:v24+s6+$0x0], vm1;
	vm0 =	vlt.s32 v9, $0xC300;
	vm1 =	vlt.s32 v10, $0xC300  }
.LBB2_9:
0xfc: {  	v18 =	vld [tilespmem:s0+$0x30];
	s30 =	sadd.s32 $0x8, s30;
	[tilespmem:s3+$0xFFFFFFF0] =	vst v12;
	s3 =	sadd.s32 $0x80, s3  }
0xfd: {  	v19 =	vld [tilespmem:s0+$0xFFFFFFD0];
	p1 =	slt.u32 s30, $0xF8;
	[tilespmem:s3+$0x0] =	vst v14  }
0xfe: {  	v20 =	vld [tilespmem:s0+$0xFFFFFFE0];
	[tilespmem:s3+$0xFFFFFFA0] =	vst v15  }
0xff: {  	v21 =	vld [tilespmem:s0+$0xFFFFFFF0];
	[tilespmem:s3+$0xFFFFFFB0] =	vst v16  }
0x100: {  	v22 =	vld [tilespmem:s0+$0x0];
	[tilespmem:s3+$0xFFFFFFC0] =	vst v13  }
0x101: {  	v13 =	vld [tilespmem:s0+$0x10];
	vm3 =	vlt.s32 v18, $0xC300;
	[tilespmem:s3+$0xFFFFFFD0] =	vst v17  }
0x102: {  	vm4 =	vlt.s32 v19, $0xC300;
	v15 =	vld [tilespmem:s0+$0x20]  }
0x103: {  	v16 =	vld [tilespmem:s0+$0xFFFFFFC0];
	vm5 =	vlt.s32 v20, $0xC300  }
0x104: {  	vm6 =	vlt.s32 v21, $0xC300;
	v17 =	vld.idx.msk [tilespmem:v11+s6+$0x0], vm2  }
0x105: {  	vm7 =	vlt.s32 v22, $0xC300;
	v23 =	vld.idx.msk [tilespmem:v9+s6+$0x0], vm0  }
0x106: {  	vm0 =	vlt.s32 v13, $0xC300;
	v12 =	vld.idx.msk [tilespmem:v10+s6+$0x0], vm1;
	v9 =	vmov v13  }
.Ltmp5:
0x107: {  	vm1 =	vlt.s32 v15, $0xC300;
	v14 =	vld.idx.msk [tilespmem:v18+s6+$0x0], vm3;
	v10 =	vmov v15;
	(pc) =	sbr.rel @p1 .LBB2_9-.Ltmp5, $4  }
0x108: {  	vm2 =	vlt.s32 v16, $0xC300;
	v15 =	vld.idx.msk [tilespmem:v19+s6+$0x0], vm4;
	v11 =	vmov v16  }
0x109: {  	v16 =	vld.idx.msk [tilespmem:v20+s6+$0x0], vm5  }
0x10a: {  	v13 =	vld.idx.msk [tilespmem:v21+s6+$0x0], vm6;
	[tilespmem:s3+$0xFFFFFF90] =	vst v17  }
0x10b: {  	s0 =	sadd.s32 $0x80, s0;
	v17 =	vld.idx.msk [tilespmem:v22+s6+$0x0], vm7;
	[tilespmem:s3+$0xFFFFFFE0] =	vst v23  }
0x10c: {  	_ =	sdelay $0x3  }
0x10d: {  	[tilespmem:s3+$0xFFFFFFF0] =	vst v12;
	s0 =	sadd.s32 $0x80, s3  }
0x10e: {  	v11 =	vld.idx.msk [tilespmem:v11+s6+$0x0], vm2;
	[tilespmem:s0+$0x0] =	vst v14  }
0x10f: {  	v9 =	vld.idx.msk [tilespmem:v9+s6+$0x0], vm0;
	[tilespmem:s0+$0xFFFFFFA0] =	vst v15  }
0x110: {  	v10 =	vld.idx.msk [tilespmem:v10+s6+$0x0], vm1;
	[tilespmem:s0+$0xFFFFFFB0] =	vst v16  }
0x111: {  	[tilespmem:s0+$0xFFFFFFC0] =	vst v13  }
0x112: {  	[tilespmem:s0+$0xFFFFFFD0] =	vst v17  }
0x113: {  	[tilespmem:s0+$0xFFFFFF90] =	vst v11  }
0x114: {  	[tilespmem:s0+$0xFFFFFFE0] =	vst v9  }
0x115: {  	p1 =	seq.s32 s24, $0xC;
	[tilespmem:s0+$0xFFFFFFF0] =	vst v10  }
0x116: {  	[tilespmem:s17], [sflag:$0x4] =	stream.strided.gather [hbm4b:s26+s12], $0x1000, s13, s12, $0x38;
	[tilespmem:$0x1E700] =	vst v63  }
0x117: {  	s26 =	sadd.s32 @!p1 $0x1, s25  }
0x118: {  	s0 =	sshrl.u32 @!p1 s26, $0x4;
	s3 =	sshll.u32 @!p1 s26, $0x1C  }
0x119: {  	s0 =	smul.u32 @!p1 $0x187000, s0;
	s3 =	sshra.s32 @!p1 s3, $0x1F  }
0x11a: {  	s30 =	sshll.u32 @!p1 s26, $0x7;
	s3 =	sand.u32 @!p1 $0xC3800, s3  }
0x11b: {  	s0 =	sadd.s32 @!p1 s0, s3;
	s3 =	sand.u32 @!p1 $0x380, s30  }
0x11c: {  	s0 =	sor.u32 @!p1 s3, s0  }
0x11d: {  	s31 =	simm.s32 @!p1 $0x0;
	s0 =	sshrl.u32 @!p1 s0, $0x3  }
0x11e: {  	s30 =	simm.s32 @!p1 $0x400;
	s3 =	simm.s32 @!p1 $0x80;
	s0 =	sadd.s32 @!p1 s2, s0  }
0x11f: {  	[tilespmem:s31], [sflag:$0x1] =	stream.strided.gather @!p1 [hbm4b:s0+s3], $0xC300, s30, s3, $0x38;
	[tilespmem:$0x1E700] =	vst v63  }
0x120: {  	_ =	swait.ge [sflag:s20], $0xC400  }
0x121: {  	[sflag:s20] =	ssyncset.done $0x0  }
0x122: {  	[sflag:s20] =	ssyncadd.s32 $0xFFFF3C00  }
0x123: {  	_ =	swait.ge [sflag:s18], $0x1000  }
0x124: {  	[sflag:s18] =	ssyncset.done $0x0  }
0x125: {  	s10 =	simm.s32 $0x18740;
	[sflag:s18] =	ssyncadd.s32 $0xFFFFF000  }
0x126: {  	v9 =	vld [tilespmem:s10+$0x30]  }
0x127: {  	v10 =	vld [tilespmem:s10+$0xFFFFFFD0]  }
0x128: {  	v11 =	vld [tilespmem:s10+$0xFFFFFFE0]  }
0x129: {  	v12 =	vld [tilespmem:s10+$0xFFFFFFF0]  }
0x12a: {  	v13 =	vld [tilespmem:s10+$0x0]  }
0x12b: {  	v14 =	vld [tilespmem:s10+$0x10]  }
0x12c: {  	v15 =	vld [tilespmem:s10+$0x20]  }
0x12d: {  	v16 =	vld [tilespmem:s10+$0xFFFFFFC0];
	s10 =	simm.s32 $0x187C0  }
0x12e: {  	v20 =	vld [tilespmem:s10+$0xFFFFFFD0];
	vm5 =	vgt.s32 v9, $0xC2FF  }
0x12f: {  	v21 =	vld [tilespmem:s10+$0xFFFFFFE0];
	v9 =	vadd.s32 $0xFFFF3D00, v9  }
0x130: {  	v23 =	vld [tilespmem:s10+$0xFFFFFFF0];
	vm7 =	vgt.s32 v13, $0xC2FF  }
0x131: {  	v27 =	vld [tilespmem:s10+$0x0];
	v13 =	vadd.s32 $0xFFFF3D00, v13  }
0x132: {  	v30 =	vld [tilespmem:s10+$0x10];
	vm6 =	vgt.s32 v10, $0xC2FF;
	v10 =	vadd.s32 $0xFFFF3D00, v10  }
0x133: {  	s3 =	simm.s32 $0x0;
	v31 =	vld [tilespmem:s10+$0x20];
	vm3 =	vgt.s32 v12, $0xC2FF;
	v12 =	vadd.s32 $0xFFFF3D00, v12;
	vm1 =	vgt.s32 v16, $0xC2FF  }
0x134: {  	vm0 =	vgt.s32 v14, $0xC2FF;
	vm10 =	vmmov vm1;
	v17 =	vld.idx.msk [tilespmem:v9+s15+$0x0], vm5;
	v9 =	vmov s3  }
0x135: {  	v33 =	vld [tilespmem:s10+$0xFFFFFFC0];
	v16 =	vadd.s32 $0xFFFF3D00, v16;
	vm0 =	vmmov vm0;
	v9 =	vshrl.u32 v9, $0x7  }
0x136: {  	v14 =	vadd.s32 $0xFFFF3D00, v14;
	vm11 =	vgt.s32 v15, $0xC2FF;
	v19 =	vld.idx.msk [tilespmem:v13+s15+$0x0], vm7;
	v9 =	vshll.u32 v9, $0x7  }
0x137: {  	vm8 =	vgt.s32 v11, $0xC2FF;
	v15 =	vadd.s32 $0xFFFF3D00, v15;
	v13 =	vld [tilespmem:s10+$0x30];
	v9 =	vbroadcast v9, $0x0  }
0x138: {  	v11 =	vadd.s32 $0xFFFF3D00, v11;
	v18 =	vld.idx.msk [tilespmem:v10+s15+$0x0], vm6  }
0x139: {  	vm2 =	vgt.s32 v20, $0xC2FF;
	v12 =	vld.idx.msk [tilespmem:v12+s15+$0x0], vm3;
	v22 =	vor.u32 v7, v9  }
0x13a: {  	v20 =	vadd.s32 $0xFFFF3D00, v20;
	vm4 =	vgt.s32 v21, $0xC2FF;
	v34 =	vld.idx.msk [tilespmem:v16+s15+$0x0], vm10;
	v24 =	vor.u32 v1, v9  }
0x13b: {  	v21 =	vadd.s32 $0xFFFF3D00, v21;
	vm9 =	vgt.s32 v30, $0xC2FF;
	v16 =	vld.idx.msk [tilespmem:v14+s15+$0x0], vm0;
	v26 =	vor.u32 v3, v9  }
0x13c: {  	s30 =	simm.s32 $0x80;
	v14 =	vld.idx.msk [tilespmem:v15+s15+$0x0], vm11;
	v15 =	vadd.s32 $0xFFFF3D00, v33;
	v28 =	vor.u32 v4, v9;
	vm1 =	vgt.s32 v13, $0xC2FF  }
0x13d: {  	v11 =	vld.idx.msk [tilespmem:v11+s15+$0x0], vm8;
	v25 =	vor.u32 v2, v9;
	v32 =	vadd.s32 $0xFFFF3D00, v13;
	v13 =	vmov s30  }
0x13e: {  	v29 =	vor.u32 v0, v9;
	v13 =	vshrl.u32 v13, $0x7;
	[tilespmem:v22+s21+$0x0] =	vst.idx.msk vm5, v17;
	vm5 =	vgt.s32 v23, $0xC2FF  }
0x13f: {  	v13 =	vshll.u32 v13, $0x7;
	[tilespmem:v24+s21+$0x0] =	vst.idx.msk vm6, v18;
	v18 =	vadd.s32 $0xFFFF3D00, v23;
	vm6 =	vgt.s32 v27, $0xC2FF  }
0x140: {  	v10 =	vor.u32 v5, v9;
	v35 =	vbroadcast v13, $0x0;
	v27 =	vadd.s32 $0xFFFF3D00, v27;
	[tilespmem:v26+s21+$0x0] =	vst.idx.msk vm3, v12  }
0x141: {  	v9 =	vor.u32 v6, v9;
	v13 =	vadd.s32 $0xFFFF3D00, v30;
	vm3 =	vgt.s32 v31, $0xC2FF;
	[tilespmem:v28+s21+$0x0] =	vst.idx.msk vm7, v19;
	v19 =	vld.idx.msk [tilespmem:v20+s15+$0x0], vm2  }
0x142: {  	[tilespmem:v25+s21+$0x0] =	vst.idx.msk vm8, v11;
	v11 =	vadd.s32 $0xFFFF3D00, v31;
	vm7 =	vgt.s32 v33, $0xC2FF;
	v24 =	vor.u32 v7, v35;
	v17 =	vld.idx.msk [tilespmem:v32+s15+$0x0], vm1  }
0x143: {  	v12 =	vor.u32 v0, v35;
	v26 =	vor.u32 v1, v35;
	v22 =	vld.idx.msk [tilespmem:v21+s15+$0x0], vm4;
	v25 =	vor.u32 v2, v35  }
0x144: {  	v23 =	vor.u32 v3, v35;
	v20 =	vor.u32 v4, v35;
	v28 =	vor.u32 v5, v35;
	v21 =	vld.idx.msk [tilespmem:v18+s15+$0x0], vm5  }
0x145: {  	s31 =	simm.s32 $0x8;
	s3 =	simm.s32 $0x18840;
	vm8 =	vmmov vm11;
	[tilespmem:v29+s21+$0x0] =	vst.idx.msk vm10, v34;
	vm7 =	vmmov vm7;
	v27 =	vld.idx.msk [tilespmem:v27+s15+$0x0], vm6;
	v18 =	vor.u32 v6, v35  }
.LBB2_11:
0x146: {  	v29 =	vld [tilespmem:s3+$0x30];
	s31 =	sadd.s32 $0x8, s31;
	[tilespmem:v10+s21+$0x0] =	vst.idx.msk vm0, v16;
	v10 =	vmov v28;
	vm0 =	vmmov vm9  }
0x147: {  	v16 =	vld [tilespmem:s3+$0xFFFFFFD0];
	p2 =	slt.u32 s31, $0xF8;
	[tilespmem:v24+s21+$0x0] =	vst.idx.msk vm1, v17  }
0x148: {  	v17 =	vld [tilespmem:s3+$0xFFFFFFE0];
	[tilespmem:v26+s21+$0x0] =	vst.idx.msk vm2, v19  }
0x149: {  	v19 =	vld [tilespmem:s3+$0xFFFFFFF0];
	[tilespmem:v25+s21+$0x0] =	vst.idx.msk vm4, v22  }
0x14a: {  	v22 =	vld [tilespmem:s3+$0x0];
	[tilespmem:v23+s21+$0x0] =	vst.idx.msk vm5, v21  }
0x14b: {  	v21 =	vld [tilespmem:s3+$0x10];
	vm1 =	vgt.s32 v29, $0xC2FF;
	[tilespmem:v20+s21+$0x0] =	vst.idx.msk vm6, v27  }
0x14c: {  	s30 =	sadd.s32 $0x80, s30;
	v24 =	vadd.s32 $0xFFFF3D00, v29;
	vm2 =	vgt.s32 v16, $0xC2FF;
	v20 =	vadd.s32 $0xFFFF3D00, v16;
	v23 =	vld [tilespmem:s3+$0x20];
	[tilespmem:v9+s21+$0x0] =	vst.idx.msk vm8, v14;
	v9 =	vmovc v18  }
0x14d: {  	v14 =	vmov s30;
	v18 =	vld [tilespmem:s3+$0xFFFFFFC0];
	vm4 =	vgt.s32 v17, $0xC2FF;
	v25 =	vadd.s32 $0xFFFF3D00, v17  }
0x14e: {  	v14 =	vshrl.u32 v14, $0x7;
	vm5 =	vgt.s32 v19, $0xC2FF;
	v27 =	vadd.s32 $0xFFFF3D00, v19;
	v29 =	vld.idx.msk [tilespmem:v15+s15+$0x0], vm7  }
0x14f: {  	v14 =	vshll.u32 v14, $0x7;
	vm6 =	vgt.s32 v22, $0xC2FF;
	v30 =	vadd.s32 $0xFFFF3D00, v22;
	v16 =	vld.idx.msk [tilespmem:v13+s15+$0x0], vm9  }
0x150: {  	v31 =	vbroadcast v14, $0x0;
	vm9 =	vgt.s32 v21, $0xC2FF;
	v13 =	vadd.s32 $0xFFFF3D00, v21;
	v14 =	vld.idx.msk [tilespmem:v11+s15+$0x0], vm3  }
.Ltmp6:
0x151: {  	vm8 =	vmmov vm3;
	v11 =	vadd.s32 $0xFFFF3D00, v23;
	v17 =	vld.idx.msk [tilespmem:v24+s15+$0x0], vm1;
	vm3 =	vgt.s32 v23, $0xC2FF;
	(pc) =	sbr.rel @p2 .LBB2_11-.Ltmp6, $4  }
0x152: {  	v24 =	vor.u32 v7, v31;
	vm10 =	vgt.s32 v18, $0xC2FF;
	v15 =	vadd.s32 $0xFFFF3D00, v18;
	v19 =	vld.idx.msk [tilespmem:v20+s15+$0x0], vm2  }
0x153: {  	v32 =	vor.u32 v0, v31;
	v26 =	vor.u32 v1, v31;
	v22 =	vld.idx.msk [tilespmem:v25+s15+$0x0], vm4;
	v25 =	vor.u32 v2, v31  }
0x154: {  	v23 =	vor.u32 v3, v31;
	v28 =	vor.u32 v5, v31;
	v20 =	vor.u32 v4, v31;
	v21 =	vld.idx.msk [tilespmem:v27+s15+$0x0], vm5  }
0x155: {  	s3 =	sadd.s32 $0x80, s3;
	v18 =	vor.u32 v6, v31;
	v27 =	vld.idx.msk [tilespmem:v30+s15+$0x0], vm6;
	[tilespmem:v12+s21+$0x0] =	vst.idx.msk vm7, v29;
	v12 =	vmov v32;
	vm7 =	vmmov vm10  }
0x156: {  	_ =	sdelay $0x2  }
0x157: {  	vm9 =	vmmov vm9;
	_ =	sdelay $0x1  }
0x158: {  	[tilespmem:v10+s21+$0x0] =	vst.idx.msk vm0, v16  }
0x159: {  	[tilespmem:v24+s21+$0x0] =	vst.idx.msk vm1, v17;
	v10 =	vld.idx.msk [tilespmem:v15+s15+$0x0], vm7  }
0x15a: {  	[tilespmem:v9+s21+$0x0] =	vst.idx.msk vm8, v14  }
0x15b: {  	v11 =	vld.idx.msk [tilespmem:v11+s15+$0x0], vm3;
	[tilespmem:v26+s21+$0x0] =	vst.idx.msk vm2, v19  }
0x15c: {  	s0 =	simm.s32 $0x1020;
	[tilespmem:v25+s21+$0x0] =	vst.idx.msk vm4, v22;
	v13 =	vld.idx.msk [tilespmem:v13+s15+$0x0], vm9  }
0x15d: {  	s3 =	simm.s32 $0x1010;
	v9 =	vmov s0;
	[tilespmem:v23+s21+$0x0] =	vst.idx.msk vm5, v21  }
0x15e: {  	v9 =	vshrl.u32 v9, $0x7;
	[tilespmem:v12+s21+$0x0] =	vst.idx.msk vm7, v10;
	v10 =	vmov s3  }
0x15f: {  	v9 =	vshll.u32 v9, v8;
	[tilespmem:v20+s21+$0x0] =	vst.idx.msk vm6, v27;
	v10 =	vshrl.u32 v10, $0x7  }
0x160: {  	s10 =	simm.s32 $0x1050;
	v9 =	vbroadcast v9, $0x0;
	[tilespmem:v18+s21+$0x0] =	vst.idx.msk vm3, v11;
	v10 =	vshll.u32 v10, v8  }
0x161: {  	v10 =	vbroadcast v10, $0x0;
	[tilespmem:v28+s21+$0x0] =	vst.idx.msk vm9, v13;
	v13 =	vmov s10;
	s10 =	simm.s32 $0x1060  }
0x162: {  	vm0 =	vmmov vm3;
	v24 =	vor.u32 v2, v9;
	[tilespmem:s14], [sflag:$0x3] =	stream.strided.gather [hbm4b:s29+s12], $0x1000, s13, s12, $0x38;
	[tilespmem:$0x1E700] =	vst v63  }
0x163: {  	v27 =	vor.u32 v1, v10;
	s29 =	simm.s32 $0x1030;
	v13 =	vshrl.u32 v13, $0x7;
	v15 =	vmov s10  }
0x164: {  	s10 =	simm.s32 $0x1000;
	_ =	swait.ge [sflag:s19], $0x1000;
	v11 =	vmov s29;
	v13 =	vshll.u32 v13, v8;
	v15 =	vshrl.u32 v15, $0x7  }
0x165: {  	s29 =	simm.s32 $0x1040;
	v18 =	vmov s10;
	[sflag:s19] =	ssyncset.done $0x0;
	v11 =	vshrl.u32 v11, $0x7;
	v13 =	vbroadcast v13, $0x0  }
0x166: {  	s0 =	simm.s32 $0x19740;
	s10 =	simm.s32 $0x1070;
	v15 =	vshll.u32 v15, v8;
	v21 =	vmov s29;
	v18 =	vshrl.u32 v18, $0x7;
	[sflag:s19] =	ssyncadd.s32 $0xFFFFF000  }
0x167: {  	v23 =	vmov s10;
	v11 =	vshll.u32 v11, v8;
	v15 =	vbroadcast v15, $0x0;
	v12 =	vld [tilespmem:s0+$0xFFFFFFC0]  }
0x168: {  	s10 =	simm.s32 $0x1090;
	v21 =	vshrl.u32 v21, $0x7;
	v18 =	vshll.u32 v18, v8;
	v9 =	vshrl.u32 v23, $0x7;
	v17 =	vld [tilespmem:s0+$0xFFFFFFF0]  }
0x169: {  	v10 =	vmov s10;
	v11 =	vbroadcast v11, $0x0;
	v19 =	vld [tilespmem:s0+$0xFFFFFFE0];
	v21 =	vshll.u32 v21, v8  }
0x16a: {  	s29 =	simm.s32 $0x10A0;
	v20 =	vld [tilespmem:s0+$0xFFFFFFD0];
	v18 =	vbroadcast v18, $0x0;
	v9 =	vshll.u32 v9, v8;
	v28 =	vor.u32 v5, v13  }
0x16b: {  	v16 =	vld [tilespmem:s0+$0x10];
	v13 =	vmov s29;
	v10 =	vshrl.u32 v10, $0x7;
	s29 =	simm.s32 $0x10C0;
	v21 =	vbroadcast v21, $0x0  }
0x16c: {  	v22 =	vld [tilespmem:s0+$0x20];
	v13 =	vshrl.u32 v13, $0x7;
	v10 =	vshll.u32 v10, v8;
	v36 =	vmov s29  }
0x16d: {  	v14 =	vld [tilespmem:s0+$0x30];
	v25 =	vor.u32 v3, v11;
	v13 =	vshll.u32 v13, v8;
	vm0 =	vgt.s32 v17, $0xC2FF  }
0x16e: {  	v36 =	vshrl.u32 v36, $0x7;
	v17 =	vadd.s32 $0xFFFF3D00, v17;
	vm3 =	vgt.s32 v19, $0xC2FF  }
0x16f: {  	s3 =	simm.s32 $0x197C0;
	v26 =	vld [tilespmem:s0+$0x0];
	v42 =	vor.u32 v0, v18;
	v19 =	vadd.s32 $0xFFFF3D00, v19;
	vm4 =	vgt.s32 v20, $0xC2FF  }
0x170: {  	v30 =	vld [tilespmem:s3+$0x30];
	v13 =	vbroadcast v13, $0x0;
	v36 =	vshll.u32 v36, v8;
	v20 =	vadd.s32 $0xFFFF3D00, v20  }
0x171: {  	v34 =	vld [tilespmem:s3+$0x10];
	vm7 =	vgt.s32 v16, $0xC2FF;
	v23 =	vadd.s32 $0xFFFF3D00, v12;
	vm6 =	vgt.s32 v22, $0xC2FF  }
0x172: {  	s30 =	simm.s32 $0x10B0;
	v38 =	vld [tilespmem:s3+$0xFFFFFFD0];
	vm2 =	vgt.s32 v14, $0xC2FF;
	v14 =	vadd.s32 $0xFFFF3D00, v14;
	v11 =	vadd.s32 $0xFFFF3D00, v16  }
0x173: {  	v16 =	vbroadcast v9, $0x0;
	vm9 =	vgt.s32 v12, $0xC2FF;
	v12 =	vld.idx.msk [tilespmem:v17+s15+$0x0], vm0;
	v17 =	vmov s30  }
0x174: {  	s10 =	simm.s32 $0x10D0;
	vm1 =	vgt.s32 v26, $0xC2FF;
	v35 =	vadd.s32 $0xFFFF3D00, v22;
	v31 =	vld.idx.msk [tilespmem:v19+s15+$0x0], vm3;
	v17 =	vshrl.u32 v17, $0x7  }
0x175: {  	v29 =	vor.u32 v7, v16;
	v33 =	vld.idx.msk [tilespmem:v20+s15+$0x0], vm4;
	v16 =	vshll.u32 v17, v8;
	v17 =	vmov s10  }
0x176: {  	v37 =	vadd.s32 $0xFFFF3D00, v26;
	v20 =	vld [tilespmem:s3+$0xFFFFFFF0];
	s10 =	simm.s32 $0x10E0;
	v32 =	vbroadcast v16, $0x0;
	v16 =	vshrl.u32 v17, $0x7  }
0x177: {  	vm8 =	vmmov vm6;
	v40 =	vld.idx.msk [tilespmem:v11+s15+$0x0], vm7;
	v19 =	vmov s10;
	v16 =	vshll.u32 v16, v8  }
0x178: {  	v17 =	vld.idx.msk [tilespmem:v14+s15+$0x0], vm2;
	v14 =	vor.u32 v6, v15;
	v15 =	vbroadcast v16, $0x0;
	v16 =	vshrl.u32 v19, $0x7  }
0x179: {  	v22 =	vld [tilespmem:s3+$0xFFFFFFE0];
	v11 =	vor.u32 v2, v13;
	v13 =	vbroadcast v36, $0x0;
	s10 =	simm.s32 $0x1080;
	v16 =	vshll.u32 v16, v8  }
0x17a: {  	v9 =	vld [tilespmem:s3+$0xFFFFFFC0];
	v19 =	vbroadcast v10, $0x0;
	v10 =	vbroadcast v16, $0x0;
	v16 =	vmov s10  }
0x17b: {  	v41 =	vld.idx.msk [tilespmem:v23+s15+$0x0], vm9;
	v23 =	vadd.s32 $0xFFFF3D00, v38;
	vm5 =	vgt.s32 v20, $0xC2FF;
	[tilespmem:v25+s21+$0x0] =	vst.idx.msk vm0, v12;
	v26 =	vshrl.u32 v16, $0x7  }
0x17c: {  	v25 =	vadd.s32 $0xFFFF3D00, v20;
	vm0 =	vgt.s32 v34, $0xC2FF;
	[tilespmem:v27+s21+$0x0] =	vst.idx.msk vm4, v33;
	v16 =	vld [tilespmem:s3+$0x20];
	v26 =	vshll.u32 v26, v8  }
0x17d: {  	v20 =	vor.u32 v4, v21;
	vm4 =	vgt.s32 v38, $0xC2FF;
	[tilespmem:v28+s21+$0x0] =	vst.idx.msk vm7, v40;
	s10 =	simm.s32 $0x10F0;
	v12 =	vbroadcast v26, $0x0;
	v26 =	vld.idx.msk [tilespmem:v35+s15+$0x0], vm6  }
0x17e: {  	v28 =	vadd.s32 $0xFFFF3D00, v30;
	v39 =	vmov s10;
	[tilespmem:v29+s21+$0x0] =	vst.idx.msk vm2, v17;
	vm2 =	vgt.s32 v22, $0xC2FF  }
0x17f: {  	v21 =	vld.idx.msk [tilespmem:v37+s15+$0x0], vm1;
	v22 =	vadd.s32 $0xFFFF3D00, v22;
	v39 =	vshrl.u32 v39, $0x7;
	vm6 =	vgt.s32 v30, $0xC2FF  }
0x180: {  	v18 =	vld [tilespmem:s3+$0x0];
	[tilespmem:v24+s21+$0x0] =	vst.idx.msk vm3, v31;
	v27 =	vadd.s32 $0xFFFF3D00, v34;
	v17 =	vadd.s32 $0xFFFF3D00, v9;
	v29 =	vshll.u32 v39, v8  }
0x181: {  	s31 =	simm.s32 $0x19840;
	s29 =	simm.s32 $0x8;
	s30 =	simm.s32 $0x1170;
	[tilespmem:v42+s21+$0x0] =	vst.idx.msk vm9, v41;
	v24 =	vld.idx.msk [tilespmem:v25+s15+$0x0], vm5;
	v25 =	vor.u32 v3, v32;
	v29 =	vbroadcast v29, $0x0;
	vm3 =	vgt.s32 v16, $0xC2FF  }
.LBB2_13:
0x182: {  	s0 =	sadd.s32 $0xFFFFFFA0, s30;
	s3 =	sadd.s32 $0xFFFFFFB0, s30;
	s10 =	sadd.s32 $0xFFFFFFC0, s30;
	vm7 =	vgt.s32 v9, $0xC2FF;
	v9 =	vld [tilespmem:s31+$0xFFFFFFC0];
	v30 =	vor.u32 v1, v19;
	v31 =	vor.u32 v5, v15;
	[tilespmem:v14+s21+$0x0] =	vst.idx.msk vm8, v26  }
0x183: {  	s29 =	sadd.s32 $0x8, s29;
	v15 =	vmov s0;
	v14 =	vmov s3;
	v19 =	vmov s10;
	v32 =	vld [tilespmem:s31+$0x30]  }
0x184: {  	s0 =	sadd.s32 $0xFFFFFFE0, s30;
	p2 =	slt.u32 s29, $0xF8;
	v26 =	vor.u32 v7, v29;
	v14 =	vshrl.u32 v14, $0x7;
	v19 =	vshrl.u32 v19, $0x7;
	v22 =	vld.idx.msk [tilespmem:v22+s15+$0x0], vm2;
	[tilespmem:v20+s21+$0x0] =	vst.idx.msk vm1, v21  }
0x185: {  	v20 =	vmov s0;
	v14 =	vshll.u32 v14, v8;
	v19 =	vshll.u32 v19, v8;
	v21 =	vld.idx.msk [tilespmem:v28+s15+$0x0], vm6  }
0x186: {  	s0 =	sadd.s32 $0xFFFFFFF0, s30;
	v28 =	vbroadcast v14, $0x0;
	v29 =	vbroadcast v19, $0x0;
	v14 =	vshrl.u32 v20, $0x7;
	v20 =	vld.idx.msk [tilespmem:v23+s15+$0x0], vm4  }
0x187: {  	v23 =	vmov s0;
	v19 =	vshll.u32 v14, v8;
	[tilespmem:v25+s21+$0x0] =	vst.idx.msk vm5, v24;
	v24 =	vld.idx.msk [tilespmem:v27+s15+$0x0], vm0;
	v14 =	vor.u32 v6, v10  }
0x188: {  	v10 =	vshrl.u32 v15, $0x7;
	v27 =	vld [tilespmem:s31+$0x10];
	v15 =	vbroadcast v19, $0x0;
	v19 =	vshrl.u32 v23, $0x7  }
0x189: {  	vm1 =	vgt.s32 v18, $0xC2FF;
	v10 =	vshll.u32 v10, v8;
	v23 =	vld [tilespmem:s31+$0xFFFFFFF0];
	v25 =	vshll.u32 v19, v8  }
0x18a: {  	s3 =	sadd.s32 $0xFFFFFFD0, s30;
	s0 =	sadd.s32 $0xFFFFFF90, s30;
	v19 =	vbroadcast v10, $0x0;
	v33 =	vld [tilespmem:s31+$0xFFFFFFD0];
	v10 =	vbroadcast v25, $0x0;
	v25 =	vadd.s32 $0xFFFF3D00, v16  }
0x18b: {  	v36 =	vadd.s32 $0xFFFF3D00, v18;
	v35 =	vmov s3;
	v16 =	vmov s0;
	v34 =	vld [tilespmem:s31+$0xFFFFFFE0];
	[tilespmem:v26+s21+$0x0] =	vst.idx.msk vm6, v21  }
0x18c: {  	vm8 =	vmmov vm3;
	v18 =	vshrl.u32 v16, $0x7;
	v21 =	vshrl.u32 v35, $0x7;
	v16 =	vld [tilespmem:s31+$0x20];
	[tilespmem:v11+s21+$0x0] =	vst.idx.msk vm2, v22  }
0x18d: {  	v26 =	vmov s30;
	v22 =	vshll.u32 v18, v8;
	v21 =	vshll.u32 v21, v8;
	v18 =	vld [tilespmem:s31+$0x0];
	[tilespmem:v30+s21+$0x0] =	vst.idx.msk vm4, v20  }
0x18e: {  	v11 =	vor.u32 v2, v28;
	v30 =	vshrl.u32 v26, $0x7;
	vm5 =	vgt.s32 v23, $0xC2FF;
	v35 =	vld.idx.msk [tilespmem:v17+s15+$0x0], vm7  }
0x18f: {  	v38 =	vor.u32 v0, v12;
	v12 =	vbroadcast v22, $0x0;
	v37 =	vadd.s32 $0xFFFF3D00, v23;
	[tilespmem:v31+s21+$0x0] =	vst.idx.msk vm0, v24;
	v26 =	vld.idx.msk [tilespmem:v25+s15+$0x0], vm3  }
.Ltmp7:
0x190: {  	v23 =	vbroadcast v21, $0x0;
	vm0 =	vgt.s32 v27, $0xC2FF;
	vm2 =	vgt.s32 v34, $0xC2FF;
	v21 =	vld.idx.msk [tilespmem:v36+s15+$0x0], vm1;
	(pc) =	sbr.rel @p2 .LBB2_13-.Ltmp7, $4  }
0x191: {  	v20 =	vor.u32 v4, v13;
	v17 =	vadd.s32 $0xFFFF3D00, v9;
	v22 =	vadd.s32 $0xFFFF3D00, v34  }
0x192: {  	vm6 =	vgt.s32 v32, $0xC2FF;
	vm4 =	vgt.s32 v33, $0xC2FF;
	v13 =	vmovc v23;
	vm3 =	vgt.s32 v16, $0xC2FF  }
0x193: {  	v28 =	vadd.s32 $0xFFFF3D00, v32;
	v30 =	vshll.u32 v30, v8;
	v23 =	vadd.s32 $0xFFFF3D00, v33  }
0x194: {  	s30 =	sadd.s32 $0x80, s30;
	s31 =	sadd.s32 $0x80, s31;
	v25 =	vor.u32 v3, v29;
	v27 =	vadd.s32 $0xFFFF3D00, v27;
	v29 =	vbroadcast v30, $0x0;
	v24 =	vld.idx.msk [tilespmem:v37+s15+$0x0], vm5;
	[tilespmem:v38+s21+$0x0] =	vst.idx.msk vm7, v35  }
0x195: {  	_ =	sdelay $0x2  }
0x196: {  	vm7 =	vgt.s32 v9, $0xC2FF;
	_ =	sdelay $0x1  }
0x197: {  	v28 =	vld.idx.msk [tilespmem:v28+s15+$0x0], vm6;
	vm9 =	vgt.s32 v18, $0xC2FF;
	v16 =	vadd.s32 $0xFFFF3D00, v16;
	v9 =	vor.u32 v7, v29  }
0x198: {  	v22 =	vld.idx.msk [tilespmem:v22+s15+$0x0], vm2;
	v18 =	vadd.s32 $0xFFFF3D00, v18  }
0x199: {  	v19 =	vor.u32 v1, v19;
	[tilespmem:v14+s21+$0x0] =	vst.idx.msk vm8, v26;
	v14 =	vld.idx.msk [tilespmem:v23+s15+$0x0], vm4  }
0x19a: {  	v15 =	vor.u32 v5, v15;
	[tilespmem:v20+s21+$0x0] =	vst.idx.msk vm1, v21;
	v20 =	vld.idx.msk [tilespmem:v27+s15+$0x0], vm0  }
0x19b: {  	v12 =	vor.u32 v0, v12;
	[tilespmem:v25+s21+$0x0] =	vst.idx.msk vm5, v24;
	v17 =	vld.idx.msk [tilespmem:v17+s15+$0x0], vm7  }
0x19c: {  	v10 =	vor.u32 v6, v10;
	[tilespmem:v9+s21+$0x0] =	vst.idx.msk vm6, v28;
	v9 =	vld.idx.msk [tilespmem:v16+s15+$0x0], vm3  }
0x19d: {  	v13 =	vor.u32 v4, v13;
	[tilespmem:v11+s21+$0x0] =	vst.idx.msk vm2, v22;
	v11 =	vld.idx.msk [tilespmem:v18+s15+$0x0], vm9  }
0x19e: {  	s31 =	simm.s32 $0x2060;
	[tilespmem:v19+s21+$0x0] =	vst.idx.msk vm4, v14  }
0x19f: {  	[tilespmem:v15+s21+$0x0] =	vst.idx.msk vm0, v20;
	v15 =	vmov s31;
	s31 =	simm.s32 $0x2040  }
0x1a0: {  	v21 =	vmov s31;
	[tilespmem:v12+s21+$0x0] =	vst.idx.msk vm7, v17  }
0x1a1: {  	vm1 =	vmmov vm3;
	v15 =	vshrl.u32 v15, $0x7;
	s31 =	simm.s32 $0x2070;
	v21 =	vshrl.u32 v21, $0x7;
	[tilespmem:v10+s21+$0x0] =	vst.idx.msk vm3, v9  }
0x1a2: {  	s0 =	simm.s32 $0x2020;
	s3 =	simm.s32 $0x2010;
	s10 =	simm.s32 $0x2030;
	v15 =	vshll.u32 v15, v8;
	v23 =	vmov s31;
	v21 =	vshll.u32 v21, v8;
	[tilespmem:v13+s21+$0x0] =	vst.idx.msk vm9, v11  }
0x1a3: {  	v15 =	vbroadcast v15, $0x0;
	v21 =	vbroadcast v21, $0x0;
	v9 =	vmov s0;
	[tilespmem:s17], [sflag:$0x4] =	stream.strided.gather [hbm4b:s28+s12], $0x1000, s13, s12, $0x38;
	[tilespmem:$0x1E700] =	vst v63  }
0x1a4: {  	v10 =	vmov s3;
	v11 =	vmov s10;
	s10 =	simm.s32 $0x2050;
	v9 =	vshrl.u32 v9, $0x7;
	_ =	swait.ge [sflag:s18], $0x1000  }
0x1a5: {  	v11 =	vshrl.u32 v11, $0x7;
	v13 =	vmov s10;
	v10 =	vshrl.u32 v10, $0x7;
	[sflag:s18] =	ssyncset.done $0x0  }
0x1a6: {  	s0 =	simm.s32 $0x18740;
	s10 =	simm.s32 $0x2000;
	v9 =	vshll.u32 v9, v8;
	v11 =	vshll.u32 v11, v8;
	v13 =	vshrl.u32 v13, $0x7;
	[sflag:s18] =	ssyncadd.s32 $0xFFFFF000  }
0x1a7: {  	v10 =	vshll.u32 v10, v8;
	v18 =	vmov s10;
	v9 =	vbroadcast v9, $0x0;
	v12 =	vld [tilespmem:s0+$0xFFFFFFC0]  }
0x1a8: {  	v11 =	vbroadcast v11, $0x0;
	v13 =	vshll.u32 v13, v8;
	v18 =	vshrl.u32 v18, $0x7;
	v17 =	vld [tilespmem:s0+$0xFFFFFFF0]  }
0x1a9: {  	v10 =	vbroadcast v10, $0x0;
	v13 =	vbroadcast v13, $0x0;
	v18 =	vshll.u32 v18, v8;
	v19 =	vld [tilespmem:s0+$0xFFFFFFE0]  }
0x1aa: {  	s10 =	simm.s32 $0x2090;
	v20 =	vld [tilespmem:s0+$0xFFFFFFD0];
	v24 =	vor.u32 v2, v9;
	v9 =	vshrl.u32 v23, $0x7;
	v18 =	vbroadcast v18, $0x0  }
0x1ab: {  	s31 =	simm.s32 $0x20A0;
	v16 =	vld [tilespmem:s0+$0x10];
	v25 =	vor.u32 v3, v11;
	v27 =	vor.u32 v1, v10;
	v10 =	vmov s10  }
0x1ac: {  	v22 =	vld [tilespmem:s0+$0x20];
	v9 =	vshll.u32 v9, v8;
	v28 =	vor.u32 v5, v13;
	v13 =	vmov s31  }
0x1ad: {  	v14 =	vld [tilespmem:s0+$0x30];
	v10 =	vshrl.u32 v10, $0x7;
	v13 =	vshrl.u32 v13, $0x7;
	vm0 =	vgt.s32 v17, $0xC2FF  }
0x1ae: {  	v26 =	vld [tilespmem:s0+$0x0];
	v10 =	vshll.u32 v10, v8;
	v17 =	vadd.s32 $0xFFFF3D00, v17;
	vm3 =	vgt.s32 v19, $0xC2FF  }
0x1af: {  	v13 =	vshll.u32 v13, v8;
	v19 =	vadd.s32 $0xFFFF3D00, v19;
	vm4 =	vgt.s32 v20, $0xC2FF  }
0x1b0: {  	s3 =	simm.s32 $0x187C0;
	v42 =	vor.u32 v0, v18;
	v13 =	vbroadcast v13, $0x0;
	v20 =	vadd.s32 $0xFFFF3D00, v20  }
0x1b1: {  	v34 =	vld [tilespmem:s3+$0x10];
	vm7 =	vgt.s32 v16, $0xC2FF;
	v23 =	vadd.s32 $0xFFFF3D00, v12;
	vm6 =	vgt.s32 v22, $0xC2FF  }
0x1b2: {  	v38 =	vld [tilespmem:s3+$0xFFFFFFD0];
	vm2 =	vgt.s32 v14, $0xC2FF;
	v11 =	vadd.s32 $0xFFFF3D00, v16;
	vm9 =	vgt.s32 v12, $0xC2FF  }
0x1b3: {  	s28 =	simm.s32 $0x20B0;
	v14 =	vadd.s32 $0xFFFF3D00, v14;
	v16 =	vbroadcast v9, $0x0;
	vm1 =	vgt.s32 v26, $0xC2FF;
	v12 =	vld.idx.msk [tilespmem:v17+s15+$0x0], vm0  }
0x1b4: {  	v35 =	vadd.s32 $0xFFFF3D00, v22;
	v37 =	vadd.s32 $0xFFFF3D00, v26;
	v17 =	vmov s28;
	v31 =	vld.idx.msk [tilespmem:v19+s15+$0x0], vm3  }
0x1b5: {  	s10 =	simm.s32 $0x20D0;
	s31 =	simm.s32 $0x20E0;
	vm8 =	vmmov vm6;
	v29 =	vor.u32 v7, v16;
	v33 =	vld.idx.msk [tilespmem:v20+s15+$0x0], vm4;
	v17 =	vshrl.u32 v17, $0x7  }
0x1b6: {  	v19 =	vmov s31;
	v20 =	vld [tilespmem:s3+$0xFFFFFFF0];
	v16 =	vshll.u32 v17, v8;
	v17 =	vmov s10  }
0x1b7: {  	s31 =	simm.s32 $0x20C0;
	v40 =	vld.idx.msk [tilespmem:v11+s15+$0x0], vm7;
	v11 =	vor.u32 v2, v13;
	v32 =	vbroadcast v16, $0x0;
	v16 =	vshrl.u32 v17, $0x7  }
0x1b8: {  	v41 =	vld.idx.msk [tilespmem:v23+s15+$0x0], vm9;
	v23 =	vadd.s32 $0xFFFF3D00, v38;
	v36 =	vmov s31;
	v16 =	vshll.u32 v16, v8  }
0x1b9: {  	s31 =	simm.s32 $0x20F0;
	v17 =	vld.idx.msk [tilespmem:v14+s15+$0x0], vm2;
	v14 =	vor.u32 v6, v15;
	v15 =	vbroadcast v16, $0x0;
	v16 =	vshrl.u32 v19, $0x7  }
0x1ba: {  	v22 =	vld [tilespmem:s3+$0xFFFFFFE0];
	s10 =	simm.s32 $0x2080;
	v36 =	vshrl.u32 v36, $0x7;
	v39 =	vmov s31;
	v16 =	vshll.u32 v16, v8  }
0x1bb: {  	v30 =	vld [tilespmem:s3+$0x30];
	v19 =	vbroadcast v10, $0x0;
	v10 =	vbroadcast v16, $0x0;
	v16 =	vmov s10  }
0x1bc: {  	v9 =	vld [tilespmem:s3+$0xFFFFFFC0];
	v36 =	vshll.u32 v36, v8;
	vm5 =	vgt.s32 v20, $0xC2FF;
	v26 =	vshrl.u32 v16, $0x7  }
0x1bd: {  	v39 =	vshrl.u32 v39, $0x7;
	[tilespmem:v25+s21+$0x0] =	vst.idx.msk vm0, v12;
	v25 =	vadd.s32 $0xFFFF3D00, v20;
	v16 =	vld [tilespmem:s3+$0x20];
	v26 =	vshll.u32 v26, v8  }
0x1be: {  	v13 =	vbroadcast v36, $0x0;
	vm0 =	vgt.s32 v34, $0xC2FF;
	[tilespmem:v27+s21+$0x0] =	vst.idx.msk vm4, v33;
	v12 =	vbroadcast v26, $0x0;
	v26 =	vld.idx.msk [tilespmem:v35+s15+$0x0], vm6  }
0x1bf: {  	v20 =	vor.u32 v4, v21;
	vm4 =	vgt.s32 v38, $0xC2FF;
	[tilespmem:v29+s21+$0x0] =	vst.idx.msk vm2, v17;
	vm2 =	vgt.s32 v22, $0xC2FF  }
0x1c0: {  	[tilespmem:v28+s21+$0x0] =	vst.idx.msk vm7, v40;
	v21 =	vld.idx.msk [tilespmem:v37+s15+$0x0], vm1;
	v28 =	vadd.s32 $0xFFFF3D00, v30;
	v22 =	vadd.s32 $0xFFFF3D00, v22;
	vm6 =	vgt.s32 v30, $0xC2FF  }
0x1c1: {  	v18 =	vld [tilespmem:s3+$0x0];
	[tilespmem:v24+s21+$0x0] =	vst.idx.msk vm3, v31;
	v27 =	vadd.s32 $0xFFFF3D00, v34;
	v17 =	vadd.s32 $0xFFFF3D00, v9;
	v29 =	vshll.u32 v39, v8  }
0x1c2: {  	s29 =	simm.s32 $0x2170;
	s30 =	simm.s32 $0x18840;
	s28 =	simm.s32 $0x8;
	[tilespmem:v42+s21+$0x0] =	vst.idx.msk vm9, v41;
	v29 =	vbroadcast v29, $0x0;
	v24 =	vld.idx.msk [tilespmem:v25+s15+$0x0], vm5;
	v25 =	vor.u32 v3, v32;
	vm3 =	vgt.s32 v16, $0xC2FF  }
.LBB2_15:
0x1c3: {  	s0 =	sadd.s32 $0xFFFFFFA0, s29;
	s3 =	sadd.s32 $0xFFFFFFB0, s29;
	s10 =	sadd.s32 $0xFFFFFFC0, s29;
	vm7 =	vgt.s32 v9, $0xC2FF;
	v9 =	vld [tilespmem:s30+$0xFFFFFFC0];
	v30 =	vor.u32 v1, v19;
	v31 =	vor.u32 v5, v15;
	[tilespmem:v14+s21+$0x0] =	vst.idx.msk vm8, v26  }
0x1c4: {  	s28 =	sadd.s32 $0x8, s28;
	v15 =	vmov s0;
	v14 =	vmov s3;
	v19 =	vmov s10;
	v32 =	vld [tilespmem:s30+$0x30]  }
0x1c5: {  	s0 =	sadd.s32 $0xFFFFFFE0, s29;
	p2 =	slt.u32 s28, $0xF8;
	v26 =	vor.u32 v7, v29;
	v14 =	vshrl.u32 v14, $0x7;
	v19 =	vshrl.u32 v19, $0x7;
	v22 =	vld.idx.msk [tilespmem:v22+s15+$0x0], vm2;
	[tilespmem:v20+s21+$0x0] =	vst.idx.msk vm1, v21  }
0x1c6: {  	v20 =	vmov s0;
	v14 =	vshll.u32 v14, v8;
	v19 =	vshll.u32 v19, v8;
	v21 =	vld.idx.msk [tilespmem:v28+s15+$0x0], vm6  }
0x1c7: {  	s0 =	sadd.s32 $0xFFFFFFF0, s29;
	v28 =	vbroadcast v14, $0x0;
	v29 =	vbroadcast v19, $0x0;
	v14 =	vshrl.u32 v20, $0x7;
	v20 =	vld.idx.msk [tilespmem:v23+s15+$0x0], vm4  }
0x1c8: {  	v23 =	vmov s0;
	v19 =	vshll.u32 v14, v8;
	[tilespmem:v25+s21+$0x0] =	vst.idx.msk vm5, v24;
	v24 =	vld.idx.msk [tilespmem:v27+s15+$0x0], vm0;
	v14 =	vor.u32 v6, v10  }
0x1c9: {  	v10 =	vshrl.u32 v15, $0x7;
	v27 =	vld [tilespmem:s30+$0x10];
	v15 =	vbroadcast v19, $0x0;
	v19 =	vshrl.u32 v23, $0x7  }
0x1ca: {  	vm1 =	vgt.s32 v18, $0xC2FF;
	v10 =	vshll.u32 v10, v8;
	v23 =	vld [tilespmem:s30+$0xFFFFFFF0];
	v25 =	vshll.u32 v19, v8  }
0x1cb: {  	s3 =	sadd.s32 $0xFFFFFFD0, s29;
	s0 =	sadd.s32 $0xFFFFFF90, s29;
	v19 =	vbroadcast v10, $0x0;
	v33 =	vld [tilespmem:s30+$0xFFFFFFD0];
	v10 =	vbroadcast v25, $0x0;
	v25 =	vadd.s32 $0xFFFF3D00, v16  }
0x1cc: {  	v36 =	vadd.s32 $0xFFFF3D00, v18;
	v35 =	vmov s3;
	v16 =	vmov s0;
	v34 =	vld [tilespmem:s30+$0xFFFFFFE0];
	[tilespmem:v26+s21+$0x0] =	vst.idx.msk vm6, v21  }
0x1cd: {  	vm8 =	vmmov vm3;
	v18 =	vshrl.u32 v16, $0x7;
	v21 =	vshrl.u32 v35, $0x7;
	v16 =	vld [tilespmem:s30+$0x20];
	[tilespmem:v11+s21+$0x0] =	vst.idx.msk vm2, v22  }
0x1ce: {  	v26 =	vmov s29;
	v22 =	vshll.u32 v18, v8;
	v21 =	vshll.u32 v21, v8;
	v18 =	vld [tilespmem:s30+$0x0];
	[tilespmem:v30+s21+$0x0] =	vst.idx.msk vm4, v20  }
0x1cf: {  	v11 =	vor.u32 v2, v28;
	v30 =	vshrl.u32 v26, $0x7;
	vm5 =	vgt.s32 v23, $0xC2FF;
	v35 =	vld.idx.msk [tilespmem:v17+s15+$0x0], vm7  }
0x1d0: {  	v38 =	vor.u32 v0, v12;
	v12 =	vbroadcast v22, $0x0;
	v37 =	vadd.s32 $0xFFFF3D00, v23;
	[tilespmem:v31+s21+$0x0] =	vst.idx.msk vm0, v24;
	v26 =	vld.idx.msk [tilespmem:v25+s15+$0x0], vm3  }
.Ltmp8:
0x1d1: {  	v23 =	vbroadcast v21, $0x0;
	vm0 =	vgt.s32 v27, $0xC2FF;
	vm2 =	vgt.s32 v34, $0xC2FF;
	v21 =	vld.idx.msk [tilespmem:v36+s15+$0x0], vm1;
	(pc) =	sbr.rel @p2 .LBB2_15-.Ltmp8, $4  }
0x1d2: {  	v20 =	vor.u32 v4, v13;
	v17 =	vadd.s32 $0xFFFF3D00, v9;
	v22 =	vadd.s32 $0xFFFF3D00, v34  }
0x1d3: {  	vm6 =	vgt.s32 v32, $0xC2FF;
	vm4 =	vgt.s32 v33, $0xC2FF;
	v13 =	vmovc v23;
	vm3 =	vgt.s32 v16, $0xC2FF  }
0x1d4: {  	v28 =	vadd.s32 $0xFFFF3D00, v32;
	v30 =	vshll.u32 v30, v8;
	v23 =	vadd.s32 $0xFFFF3D00, v33  }
0x1d5: {  	s29 =	sadd.s32 $0x80, s29;
	s30 =	sadd.s32 $0x80, s30;
	v25 =	vor.u32 v3, v29;
	v27 =	vadd.s32 $0xFFFF3D00, v27;
	v29 =	vbroadcast v30, $0x0;
	v24 =	vld.idx.msk [tilespmem:v37+s15+$0x0], vm5;
	[tilespmem:v38+s21+$0x0] =	vst.idx.msk vm7, v35  }
0x1d6: {  	_ =	sdelay $0x2  }
0x1d7: {  	vm7 =	vgt.s32 v9, $0xC2FF;
	_ =	sdelay $0x1  }
0x1d8: {  	v28 =	vld.idx.msk [tilespmem:v28+s15+$0x0], vm6;
	vm9 =	vgt.s32 v18, $0xC2FF;
	v16 =	vadd.s32 $0xFFFF3D00, v16;
	v9 =	vor.u32 v7, v29  }
0x1d9: {  	v22 =	vld.idx.msk [tilespmem:v22+s15+$0x0], vm2;
	v18 =	vadd.s32 $0xFFFF3D00, v18  }
0x1da: {  	v19 =	vor.u32 v1, v19;
	[tilespmem:v14+s21+$0x0] =	vst.idx.msk vm8, v26;
	v14 =	vld.idx.msk [tilespmem:v23+s15+$0x0], vm4  }
0x1db: {  	v15 =	vor.u32 v5, v15;
	[tilespmem:v20+s21+$0x0] =	vst.idx.msk vm1, v21;
	v20 =	vld.idx.msk [tilespmem:v27+s15+$0x0], vm0  }
0x1dc: {  	v12 =	vor.u32 v0, v12;
	[tilespmem:v25+s21+$0x0] =	vst.idx.msk vm5, v24;
	v17 =	vld.idx.msk [tilespmem:v17+s15+$0x0], vm7  }
0x1dd: {  	v10 =	vor.u32 v6, v10;
	[tilespmem:v9+s21+$0x0] =	vst.idx.msk vm6, v28;
	v9 =	vld.idx.msk [tilespmem:v16+s15+$0x0], vm3  }
0x1de: {  	v13 =	vor.u32 v4, v13;
	[tilespmem:v11+s21+$0x0] =	vst.idx.msk vm2, v22;
	v11 =	vld.idx.msk [tilespmem:v18+s15+$0x0], vm9  }
0x1df: {  	s0 =	sshll.u32 @!p1 s26, $0xA;
	s3 =	sshll.u32 @!p1 s26, $0x3;
	[tilespmem:v19+s21+$0x0] =	vst.idx.msk vm4, v14  }
0x1e0: {  	s0 =	sand.u32 @!p1 $0xFFFE0000, s0;
	s3 =	sand.u32 @!p1 $0x380, s3;
	[tilespmem:v15+s21+$0x0] =	vst.idx.msk vm0, v20  }
0x1e1: {  	s10 =	simm.s32 @!p1 $0x400;
	s0 =	sor.u32 @!p1 s3, s0;
	[tilespmem:v12+s21+$0x0] =	vst.idx.msk vm7, v17  }
0x1e2: {  	s26 =	simm.s32 @!p1 $0x18700;
	s30 =	simm.s32 $0x3030;
	s0 =	sshrl.u32 @!p1 s0, $0x3;
	[tilespmem:v10+s21+$0x0] =	vst.idx.msk vm3, v9  }
0x1e3: {  	s31 =	simm.s32 $0x3050;
	s3 =	simm.s32 @!p1 $0x80;
	s0 =	sadd.s32 @!p1 s4, s0;
	[tilespmem:v13+s21+$0x0] =	vst.idx.msk vm9, v11  }
0x1e4: {  	v11 =	vmov s30;
	v13 =	vmov s31;
	[tilespmem:s26], [sflag:$0x3] =	stream.strided.gather @!p1 [hbm4b:s0+s3], $0x1000, s10, s3, $0x38;
	[tilespmem:$0x1E700] =	vst v63  }
0x1e5: {  	vm1 =	vmmov vm3;
	s30 =	simm.s32 $0x3040;
	s31 =	simm.s32 $0x3070;
	s10 =	simm.s32 $0x3020;
	v11 =	vshrl.u32 v11, $0x7;
	v13 =	vshrl.u32 v13, $0x7  }
0x1e6: {  	s26 =	simm.s32 $0x3010;
	v21 =	vmov s30;
	v23 =	vmov s31;
	v9 =	vmov s10  }
0x1e7: {  	v10 =	vmov s26;
	v11 =	vshll.u32 v11, v8;
	v13 =	vshll.u32 v13, v8  }
0x1e8: {  	_ =	swait.ge [sflag:s19], $0x1000;
	s10 =	simm.s32 $0x3060;
	v21 =	vshrl.u32 v21, $0x7;
	v9 =	vshrl.u32 v9, $0x7;
	v11 =	vbroadcast v11, $0x0  }
0x1e9: {  	s26 =	simm.s32 $0x3000;
	[sflag:s19] =	ssyncset.done $0x0;
	v15 =	vmov s10;
	v10 =	vshrl.u32 v10, $0x7;
	v13 =	vbroadcast v13, $0x0  }
0x1ea: {  	s0 =	simm.s32 $0x19740;
	v18 =	vmov s26;
	v21 =	vshll.u32 v21, v8;
	[sflag:s19] =	ssyncadd.s32 $0xFFFFF000;
	v9 =	vshll.u32 v9, v8  }
0x1eb: {  	v15 =	vshrl.u32 v15, $0x7;
	v10 =	vshll.u32 v10, v8;
	v18 =	vshrl.u32 v18, $0x7;
	v17 =	vld [tilespmem:s0+$0xFFFFFFF0]  }
0x1ec: {  	v21 =	vbroadcast v21, $0x0;
	v9 =	vbroadcast v9, $0x0;
	v15 =	vshll.u32 v15, v8;
	v19 =	vld [tilespmem:s0+$0xFFFFFFE0]  }
0x1ed: {  	s26 =	simm.s32 $0x30A0;
	v20 =	vld [tilespmem:s0+$0xFFFFFFD0];
	v10 =	vbroadcast v10, $0x0;
	v18 =	vshll.u32 v18, v8;
	v25 =	vor.u32 v3, v11  }
0x1ee: {  	v16 =	vld [tilespmem:s0+$0x10];
	v28 =	vor.u32 v5, v13;
	v13 =	vmov s26;
	v15 =	vbroadcast v15, $0x0  }
0x1ef: {  	v12 =	vld [tilespmem:s0+$0xFFFFFFC0];
	v18 =	vbroadcast v18, $0x0;
	v13 =	vshrl.u32 v13, $0x7;
	v24 =	vor.u32 v2, v9  }
0x1f0: {  	s10 =	simm.s32 $0x3090;
	v14 =	vld [tilespmem:s0+$0x30];
	v9 =	vshrl.u32 v23, $0x7;
	v27 =	vor.u32 v1, v10;
	vm0 =	vgt.s32 v17, $0xC2FF  }
0x1f1: {  	v22 =	vld [tilespmem:s0+$0x20];
	v10 =	vmov s10;
	v17 =	vadd.s32 $0xFFFF3D00, v17;
	vm3 =	vgt.s32 v19, $0xC2FF  }
0x1f2: {  	v26 =	vld [tilespmem:s0+$0x0];
	v13 =	vshll.u32 v13, v8;
	v19 =	vadd.s32 $0xFFFF3D00, v19;
	vm4 =	vgt.s32 v20, $0xC2FF  }
0x1f3: {  	s3 =	simm.s32 $0x197C0;
	v9 =	vshll.u32 v9, v8;
	vm7 =	vgt.s32 v16, $0xC2FF;
	v20 =	vadd.s32 $0xFFFF3D00, v20  }
0x1f4: {  	v30 =	vld [tilespmem:s3+$0x30];
	v13 =	vbroadcast v13, $0x0;
	v11 =	vadd.s32 $0xFFFF3D00, v16;
	vm9 =	vgt.s32 v12, $0xC2FF  }
0x1f5: {  	v37 =	vld [tilespmem:s3+$0xFFFFFFD0];
	v10 =	vshrl.u32 v10, $0x7;
	v63 =	vor.u32 v0, v18;
	v23 =	vadd.s32 $0xFFFF3D00, v12  }
0x1f6: {  	v10 =	vshll.u32 v10, v8;
	vm6 =	vgt.s32 v22, $0xC2FF;
	vm2 =	vgt.s32 v14, $0xC2FF;
	v12 =	vld.idx.msk [tilespmem:v17+s15+$0x0], vm0  }
0x1f7: {  	v14 =	vadd.s32 $0xFFFF3D00, v14;
	v16 =	vbroadcast v9, $0x0;
	vm1 =	vgt.s32 v26, $0xC2FF;
	v31 =	vld.idx.msk [tilespmem:v19+s15+$0x0], vm3  }
0x1f8: {  	s30 =	simm.s32 $0x30B0;
	s10 =	simm.s32 $0x30E0;
	v35 =	vadd.s32 $0xFFFF3D00, v22;
	v26 =	vadd.s32 $0xFFFF3D00, v26;
	vm8 =	vmmov vm6;
	v33 =	vld.idx.msk [tilespmem:v20+s15+$0x0], vm4  }
0x1f9: {  	v29 =	vor.u32 v7, v16;
	v17 =	vmov s30;
	v19 =	vmov s10;
	v40 =	vld.idx.msk [tilespmem:v11+s15+$0x0], vm7  }
0x1fa: {  	s31 =	simm.s32 $0x30D0;
	s30 =	simm.s32 $0x30C0;
	v11 =	vor.u32 v2, v13;
	v41 =	vld.idx.msk [tilespmem:v23+s15+$0x0], vm9;
	v23 =	vadd.s32 $0xFFFF3D00, v37;
	v17 =	vshrl.u32 v17, $0x7  }
0x1fb: {  	v20 =	vld [tilespmem:s3+$0xFFFFFFF0];
	v36 =	vmov s30;
	v16 =	vshll.u32 v17, v8;
	v17 =	vmov s31  }
0x1fc: {  	v34 =	vld [tilespmem:s3+$0x10];
	v36 =	vshrl.u32 v36, $0x7;
	v32 =	vbroadcast v16, $0x0;
	v16 =	vshrl.u32 v17, $0x7  }
0x1fd: {  	s31 =	simm.s32 $0x30F0;
	v17 =	vld.idx.msk [tilespmem:v14+s15+$0x0], vm2;
	v14 =	vor.u32 v6, v15;
	v36 =	vshll.u32 v36, v8;
	v16 =	vshll.u32 v16, v8  }
0x1fe: {  	v22 =	vld [tilespmem:s3+$0xFFFFFFE0];
	v39 =	vmov s31;
	v15 =	vbroadcast v16, $0x0;
	v16 =	vshrl.u32 v19, $0x7  }
0x1ff: {  	s26 =	simm.s32 $0x3080;
	v39 =	vshrl.u32 v39, $0x7;
	v19 =	vbroadcast v10, $0x0;
	v16 =	vshll.u32 v16, v8  }
0x200: {  	v9 =	vld [tilespmem:s3+$0xFFFFFFC0];
	vm5 =	vgt.s32 v20, $0xC2FF;
	[tilespmem:v25+s21+$0x0] =	vst.idx.msk vm0, v12;
	v10 =	vbroadcast v16, $0x0;
	v16 =	vmov s26  }
0x201: {  	v13 =	vbroadcast v36, $0x0;
	v25 =	vadd.s32 $0xFFFF3D00, v20;
	[tilespmem:v27+s21+$0x0] =	vst.idx.msk vm4, v33;
	v38 =	vshrl.u32 v16, $0x7;
	v16 =	vld [tilespmem:s3+$0x20]  }
0x202: {  	vm0 =	vgt.s32 v34, $0xC2FF;
	v20 =	vor.u32 v4, v21;
	v27 =	vld.idx.msk [tilespmem:v35+s15+$0x0], vm6;
	vm4 =	vgt.s32 v37, $0xC2FF;
	[tilespmem:v28+s21+$0x0] =	vst.idx.msk vm7, v40  }
0x203: {  	vm6 =	vgt.s32 v30, $0xC2FF;
	v28 =	vadd.s32 $0xFFFF3D00, v30;
	[tilespmem:v29+s21+$0x0] =	vst.idx.msk vm2, v17;
	vm2 =	vgt.s32 v22, $0xC2FF  }
0x204: {  	v21 =	vld.idx.msk [tilespmem:v26+s15+$0x0], vm1;
	v26 =	vadd.s32 $0xFFFF3D00, v34;
	v22 =	vadd.s32 $0xFFFF3D00, v22;
	v29 =	vshll.u32 v39, v8  }
0x205: {  	v18 =	vld [tilespmem:s3+$0x0];
	[tilespmem:v24+s21+$0x0] =	vst.idx.msk vm3, v31;
	v17 =	vadd.s32 $0xFFFF3D00, v9;
	v38 =	vshll.u32 v38, v8;
	v29 =	vbroadcast v29, $0x0  }
0x206: {  	s28 =	simm.s32 $0x3170;
	s29 =	simm.s32 $0x19840;
	[tilespmem:v63+s21+$0x0] =	vst.idx.msk vm9, v41;
	s26 =	simm.s32 $0x8;
	v12 =	vbroadcast v38, $0x0;
	v24 =	vld.idx.msk [tilespmem:v25+s15+$0x0], vm5;
	v25 =	vor.u32 v3, v32;
	vm3 =	vgt.s32 v16, $0xC2FF  }
.LBB2_17:
0x207: {  	s0 =	sadd.s32 $0xFFFFFFA0, s28;
	s3 =	sadd.s32 $0xFFFFFFB0, s28;
	s10 =	sadd.s32 $0xFFFFFFC0, s28;
	vm7 =	vgt.s32 v9, $0xC2FF;
	v9 =	vld [tilespmem:s29+$0xFFFFFFC0];
	v30 =	vor.u32 v1, v19;
	v31 =	vor.u32 v5, v15;
	[tilespmem:v14+s21+$0x0] =	vst.idx.msk vm8, v27  }
0x208: {  	s26 =	sadd.s32 $0x8, s26;
	v15 =	vmov s0;
	v14 =	vmov s3;
	v19 =	vmov s10;
	v32 =	vld [tilespmem:s29+$0x30]  }
0x209: {  	s0 =	sadd.s32 $0xFFFFFFE0, s28;
	p1 =	slt.u32 s26, $0xF8;
	v27 =	vor.u32 v7, v29;
	v14 =	vshrl.u32 v14, $0x7;
	v19 =	vshrl.u32 v19, $0x7;
	v22 =	vld.idx.msk [tilespmem:v22+s15+$0x0], vm2;
	[tilespmem:v20+s21+$0x0] =	vst.idx.msk vm1, v21  }
0x20a: {  	v20 =	vmov s0;
	v14 =	vshll.u32 v14, v8;
	v19 =	vshll.u32 v19, v8;
	v21 =	vld.idx.msk [tilespmem:v28+s15+$0x0], vm6  }
0x20b: {  	s0 =	sadd.s32 $0xFFFFFFF0, s28;
	v28 =	vbroadcast v14, $0x0;
	v29 =	vbroadcast v19, $0x0;
	v14 =	vshrl.u32 v20, $0x7;
	v20 =	vld.idx.msk [tilespmem:v23+s15+$0x0], vm4  }
0x20c: {  	v23 =	vmov s0;
	v19 =	vshll.u32 v14, v8;
	[tilespmem:v25+s21+$0x0] =	vst.idx.msk vm5, v24;
	v24 =	vld.idx.msk [tilespmem:v26+s15+$0x0], vm0;
	v14 =	vor.u32 v6, v10  }
0x20d: {  	v10 =	vshrl.u32 v15, $0x7;
	v26 =	vld [tilespmem:s29+$0x10];
	v15 =	vbroadcast v19, $0x0;
	v19 =	vshrl.u32 v23, $0x7  }
0x20e: {  	vm1 =	vgt.s32 v18, $0xC2FF;
	v10 =	vshll.u32 v10, v8;
	v23 =	vld [tilespmem:s29+$0xFFFFFFF0];
	v25 =	vshll.u32 v19, v8  }
0x20f: {  	s3 =	sadd.s32 $0xFFFFFFD0, s28;
	s0 =	sadd.s32 $0xFFFFFF90, s28;
	v19 =	vbroadcast v10, $0x0;
	v33 =	vld [tilespmem:s29+$0xFFFFFFD0];
	v10 =	vbroadcast v25, $0x0;
	v25 =	vadd.s32 $0xFFFF3D00, v16  }
0x210: {  	v36 =	vadd.s32 $0xFFFF3D00, v18;
	v35 =	vmov s3;
	v16 =	vmov s0;
	v34 =	vld [tilespmem:s29+$0xFFFFFFE0];
	[tilespmem:v27+s21+$0x0] =	vst.idx.msk vm6, v21  }
0x211: {  	vm8 =	vmmov vm3;
	v18 =	vshrl.u32 v16, $0x7;
	v21 =	vshrl.u32 v35, $0x7;
	v16 =	vld [tilespmem:s29+$0x20];
	[tilespmem:v11+s21+$0x0] =	vst.idx.msk vm2, v22  }
0x212: {  	v27 =	vmov s28;
	v22 =	vshll.u32 v18, v8;
	v21 =	vshll.u32 v21, v8;
	v18 =	vld [tilespmem:s29+$0x0];
	[tilespmem:v30+s21+$0x0] =	vst.idx.msk vm4, v20  }
0x213: {  	v11 =	vor.u32 v2, v28;
	v30 =	vshrl.u32 v27, $0x7;
	vm5 =	vgt.s32 v23, $0xC2FF;
	v35 =	vld.idx.msk [tilespmem:v17+s15+$0x0], vm7  }
0x214: {  	v38 =	vor.u32 v0, v12;
	v12 =	vbroadcast v22, $0x0;
	v37 =	vadd.s32 $0xFFFF3D00, v23;
	[tilespmem:v31+s21+$0x0] =	vst.idx.msk vm0, v24;
	v27 =	vld.idx.msk [tilespmem:v25+s15+$0x0], vm3  }
.Ltmp9:
0x215: {  	v23 =	vbroadcast v21, $0x0;
	vm0 =	vgt.s32 v26, $0xC2FF;
	vm2 =	vgt.s32 v34, $0xC2FF;
	v21 =	vld.idx.msk [tilespmem:v36+s15+$0x0], vm1;
	(pc) =	sbr.rel @p1 .LBB2_17-.Ltmp9, $4  }
0x216: {  	v20 =	vor.u32 v4, v13;
	v17 =	vadd.s32 $0xFFFF3D00, v9;
	v22 =	vadd.s32 $0xFFFF3D00, v34  }
0x217: {  	vm6 =	vgt.s32 v32, $0xC2FF;
	vm4 =	vgt.s32 v33, $0xC2FF;
	v13 =	vmovc v23;
	vm3 =	vgt.s32 v16, $0xC2FF  }
0x218: {  	v28 =	vadd.s32 $0xFFFF3D00, v32;
	v30 =	vshll.u32 v30, v8;
	v23 =	vadd.s32 $0xFFFF3D00, v33  }
0x219: {  	s28 =	sadd.s32 $0x80, s28;
	s29 =	sadd.s32 $0x80, s29;
	v25 =	vor.u32 v3, v29;
	v26 =	vadd.s32 $0xFFFF3D00, v26;
	v29 =	vbroadcast v30, $0x0;
	v24 =	vld.idx.msk [tilespmem:v37+s15+$0x0], vm5;
	[tilespmem:v38+s21+$0x0] =	vst.idx.msk vm7, v35  }
0x21a: {  	_ =	sdelay $0x2  }
0x21b: {  	vm7 =	vgt.s32 v9, $0xC2FF;
	_ =	sdelay $0x1  }
0x21c: {  	v28 =	vld.idx.msk [tilespmem:v28+s15+$0x0], vm6;
	vm9 =	vgt.s32 v18, $0xC2FF;
	v16 =	vadd.s32 $0xFFFF3D00, v16;
	v9 =	vor.u32 v7, v29  }
0x21d: {  	v22 =	vld.idx.msk [tilespmem:v22+s15+$0x0], vm2;
	v60 =	vadd.s32 $0xFFFF3D00, v18  }
0x21e: {  	[tilespmem:v14+s21+$0x0] =	vst.idx.msk vm8, v27;
	v61 =	vor.u32 v1, v19;
	v62 =	vld.idx.msk [tilespmem:v23+s15+$0x0], vm4  }
0x21f: {  	v15 =	vor.u32 v5, v15;
	[tilespmem:v20+s21+$0x0] =	vst.idx.msk vm1, v21;
	v63 =	vld.idx.msk [tilespmem:v26+s15+$0x0], vm0  }
0x220: {  	v12 =	vor.u32 v0, v12;
	[tilespmem:v25+s21+$0x0] =	vst.idx.msk vm5, v24;
	v17 =	vld.idx.msk [tilespmem:v17+s15+$0x0], vm7  }
0x221: {  	v10 =	vor.u32 v6, v10;
	[tilespmem:v9+s21+$0x0] =	vst.idx.msk vm6, v28;
	v9 =	vld.idx.msk [tilespmem:v16+s15+$0x0], vm3  }
0x222: {  	v13 =	vor.u32 v4, v13;
	[tilespmem:v11+s21+$0x0] =	vst.idx.msk vm2, v22;
	v11 =	vld.idx.msk [tilespmem:v60+s15+$0x0], vm9  }
0x223: {  	[tilespmem:v61+s21+$0x0] =	vst.idx.msk vm4, v62  }
0x224: {  	s0 =	sshll.u32 s25, $0x4;
	[tilespmem:v15+s21+$0x0] =	vst.idx.msk vm0, v63  }
0x225: {  	s3 =	sshll.u32 s25, $0xB;
	s24 =	sadd.s32 $0x1, s24;
	s0 =	sand.u32 $0x70, s0;
	[tilespmem:v12+s21+$0x0] =	vst.idx.msk vm7, v17  }
0x226: {  	s3 =	sand.u32 $0xFFFC000, s3;
	p1 =	sne.s32 s24, $0xD;
	s0 =	sadd.s32 s5, s0;
	[tilespmem:v10+s21+$0x0] =	vst.idx.msk vm3, v9  }
.Ltmp10:
0x227: {  	s0 =	sadd.s32 s3, s0;
	[tilespmem:v13+s21+$0x0] =	vst.idx.msk vm9, v11;
	(pc) =	sbr.rel @p1 .LBB2_2-.Ltmp10, $4  }
0x228: {  	[hbm4b:s0+s12] =	stream.strided.scatter [tilespmem:s21], [sflag:$0x5], $0x4000, s13, s12, $0x38;
	[tilespmem:$0x1E700] =	vst v63  }
0x229: {  	_ =	swait.ge [sflag:s22], $0x4000  }
0x22a: {  	[sflag:s22] =	ssyncset.done $0x0  }
0x22b: {  	vm15 =	vmmov vm3;
	[sflag:s22] =	ssyncadd.s32 $0xFFFFC000  }
.Ltmp11:
0x22c: {  	(pc) =	sbr.rel @p0 .LBB2_25-.Ltmp11, $1  }
0x22d: {  	_ =	sdelay $0x3  }
0x22e: {  	s3 =	simm.s32 $0x0;
	s24 =	simm.s32 $0x1A740  }
.LBB2_21:
0x22f: {  	s0 =	sshll.u32 s3, $0xC  }
0x230: {  	s0 =	sadd.s32 s0, s9  }
0x231: {  	[tilespmem:s14], [sflag:$0x5] =	stream.strided.gather [hbm4b:s0+s12], $0x1000, s13, s12, $0x38;
	[tilespmem:$0x1E700] =	vst v63  }
0x232: {  	_ =	swait.ge [sflag:s22], $0x1000  }
0x233: {  	[sflag:s22] =	ssyncset.done $0x0  }
0x234: {  	s31 =	simm.s32 $0x18740;
	[sflag:s22] =	ssyncadd.s32 $0xFFFFF000  }
0x235: {  	v11 =	vld [tilespmem:s31+$0x30]  }
0x236: {  	v13 =	vld [tilespmem:s31+$0xFFFFFFD0]  }
0x237: {  	v15 =	vld [tilespmem:s31+$0xFFFFFFE0]  }
0x238: {  	v12 =	vld [tilespmem:s31+$0xFFFFFFF0]  }
0x239: {  	v10 =	vld [tilespmem:s31+$0x0]  }
0x23a: {  	v9 =	vld [tilespmem:s31+$0x10];
	v16 =	vcvt.s32.f32 v11  }
0x23b: {  	v11 =	vld [tilespmem:s31+$0x20];
	v14 =	vcvt.s32.f32 v13  }
0x23c: {  	s25 =	simm.s32 $0x0;
	s26 =	simm.s32 $0x187C0;
	s0 =	smov.u32 s24;
	v13 =	vld [tilespmem:s31+$0xFFFFFFC0];
	v15 =	vcvt.s32.f32 v15;
	[tilespmem:s24+$0x30] =	vst v16  }
.LBB2_22:
0x23d: {  	v16 =	vld [tilespmem:s26+$0x30];
	s25 =	sadd.s32 $0x8, s25;
	[tilespmem:s0+$0xFFFFFFD0] =	vst v14;
	v12 =	vcvt.s32.f32 v12  }
0x23e: {  	v14 =	vld [tilespmem:s26+$0xFFFFFFD0];
	p1 =	slt.u32 s25, $0xF8;
	[tilespmem:s0+$0xFFFFFFE0] =	vst v15;
	v10 =	vcvt.s32.f32 v10  }
0x23f: {  	v15 =	vld [tilespmem:s26+$0xFFFFFFE0];
	[tilespmem:s0+$0xFFFFFFF0] =	vst v12;
	v9 =	vcvt.s32.f32 v9  }
.Ltmp12:
0x240: {  	v12 =	vld [tilespmem:s26+$0xFFFFFFF0];
	[tilespmem:s0+$0x0] =	vst v10;
	v11 =	vcvt.s32.f32 v11;
	(pc) =	sbr.rel @p1 .LBB2_22-.Ltmp12, $4  }
0x241: {  	v10 =	vld [tilespmem:s26+$0x0];
	v13 =	vcvt.s32.f32 v13;
	[tilespmem:s0+$0x10] =	vst v9  }
0x242: {  	v9 =	vld [tilespmem:s26+$0x10];
	v16 =	vcvt.s32.f32 v16;
	[tilespmem:s0+$0x20] =	vst v11  }
0x243: {  	v14 =	vcvt.s32.f32 v14;
	v11 =	vld [tilespmem:s26+$0x20];
	[tilespmem:s0+$0xFFFFFFC0] =	vst v13;
	s0 =	sadd.s32 $0x80, s0  }
0x244: {  	v13 =	vld [tilespmem:s26+$0xFFFFFFC0];
	v15 =	vcvt.s32.f32 v15;
	[tilespmem:s0+$0x30] =	vst v16;
	s26 =	sadd.s32 $0x80, s26  }
0x245: {  	[tilespmem:s0+$0xFFFFFFD0] =	vst v14;
	v12 =	vcvt.s32.f32 v12;
	s3 =	sadd.s32 $0x1, s3  }
0x246: {  	[tilespmem:s0+$0xFFFFFFE0] =	vst v15;
	v10 =	vcvt.s32.f32 v10;
	p1 =	sne.s32 s3, $0x4  }
.Ltmp13:
0x247: {  	[tilespmem:s0+$0xFFFFFFF0] =	vst v12;
	v9 =	vcvt.s32.f32 v9;
	(pc) =	sbr.rel @p1 .LBB2_21-.Ltmp13, $4  }
0x248: {  	[tilespmem:s0+$0x0] =	vst v10;
	v10 =	vcvt.s32.f32 v11  }
0x249: {  	v11 =	vcvt.s32.f32 v13;
	[tilespmem:s0+$0x10] =	vst v9  }
0x24a: {  	[tilespmem:s0+$0x20] =	vst v10  }
0x24b: {  	s24 =	sadd.s32 $0x1000, s24;
	[tilespmem:s0+$0xFFFFFFC0] =	vst v11  }
.Ltmp14:
0x24c: {  	s0 =	rddreg [dreg:$0x4];
	(pc) =	sbr.rel .LBB2_25-.Ltmp14, $4  }
0x24d: {  	[hbm4b:s0+s12] =	stream.strided.scatter [tilespmem:s21], [sflag:$0x5], $0x4000, s13, s12, $0x38;
	[tilespmem:$0x1E700] =	vst v63  }
0x24e: {  	_ =	swait.ge [sflag:s22], $0x4000  }
0x24f: {  	[sflag:s22] =	ssyncset.done $0x0  }
0x250: {  	[sflag:s22] =	ssyncadd.s32 $0xFFFFC000  }
.LBB2_26:
0x251: {  	_ =	sfence.sel $0x180000  }
0x252: {  	[bflag:$0x0] =	sbarrier.arrive $0xFFFF  }
0x253: {  	_ =	strace $0x90000047  }
0x254: {  	s0 =	stileid.u32;
	[bflag:$0x2] =	sbarrier.arrive $0xFFFF  }
0x255: {  	p0 =	sne.s32 s0, $0x0;
	s0 =	rddreg [dreg:$0x3]  }
0x256: {  	s0 =	sadd.s32 @!p0 $0x100000, s0  }
0x257: {  	[sflag:s0] =	ssyncadd.tile.s32 @!p0 $0x1;
	_ =	shalt  }
.Lfunc_end2:
_tile_overlayer_lowered:
.L_overlay_start_2:
0x258: {  	(tag) =	ssettag $0x2  }
0x259: {  	s0 =	rddreg [dreg:$0x0];
	s2 =	stileid.u32  }
0x25a: {  	s1 =	rddreg [dreg:$0x1];
	p0 =	sne.s32 s2, $0x0  }
0x25b: {  	s3 =	rddreg [dreg:$0x2];
	[bflag:$0x3] =	sbarrier.arrive $0xFFFF;
	s2 =	simm.s32 @!p0 $0x1C05  }
0x25c: {  	[timem:s3], [sflag:s2] =	dma.local @!p0 [hbm:s0], s1  }
0x25d: {  	s0 =	simm.s32 @!p0 $0x5  }
0x25e: {  	_ =	swait.ge @!p0 [sflag:s0], s1  }
0x25f: {  	s1 =	ssub.s32 @!p0 $0x0, s1;
	[sflag:s0] =	ssyncset.done @!p0 $0x0  }
0x260: {  	[sflag:s0] =	ssyncadd.s32 @!p0 s1  }
0x261: {  	[bflag:$0x3] =	sbarrier.arrive $0xFFFF  }
0x262: {  	_ =	shalt  }

</sc_bundles>
